<compile_context>
chip_gen: v7x
topology: tpu7x:2x2x1
jax: 0.10.2.dev20260603
libtpu: 0.0.44.dev20260713+nightly
codegen_flags: <defaults>
</compile_context>

<pallas_src>
import functools

import jax
import jax.numpy as jnp
from jax import lax
from jax.experimental import pallas as pl
from jax.experimental.pallas import tpu as pltpu
from jax.experimental.pallas import tpu_sc as plsc

N = 131072
C = 150
CP = 256
RB = 2048
ROWS_2D = N // 128

NC = 2
NS = 16
NW = NC * NS
RPW = N // NW
G = 128
CHUNKS = RPW // G


def _entropy_body(params_ref, x_ref, g_ref, pre_ref, dest_ref, condacc_ref):
    x = jnp.concatenate(
        [jnp.transpose(x_ref[0, :, h, :]) for h in range(16)], axis=0)
    thr = params_ref[0, 0]
    invt = params_ref[0, 1]
    m = jnp.max(x, axis=1, keepdims=True)
    e = jnp.exp(x - m)
    s = jnp.sum(e, axis=1, keepdims=True)
    t = jnp.sum(e * (x - m), axis=1, keepdims=True)
    ent = jnp.log(s) - t / s
    cond = ent < thr
    row = jnp.where(cond, x * invt, jnp.float32(1.0))
    gbits = lax.bitcast_convert_type(g_ref[...], jnp.float32)
    pad = jnp.zeros((RB, CP - C - 1), jnp.float32)
    pre_ref[...] = jnp.concatenate([row, gbits, pad], axis=1)
    s_id = pl.program_id(0) * 8 + pl.program_id(1)
    condacc_ref[pl.ds(s_id * 16, 16), :] = cond.astype(jnp.int32).reshape(16, 128)

    @pl.when(jnp.logical_and(pl.program_id(0) == 7, pl.program_id(1) == 7))
    def _():
        _dest_compute(condacc_ref, dest_ref)


def _dest_compute(cond_ref, dest_ref):
    c = cond_ref[...].astype(jnp.float32)
    r, l = ROWS_2D, 128
    u = (lax.broadcasted_iota(jnp.int32, (l, l), 0)
         <= lax.broadcasted_iota(jnp.int32, (l, l), 1)).astype(jnp.float32)
    cs = lax.dot_general(c, u, (((1,), (0,)), ((), ())))
    rs = jnp.sum(c, axis=1, keepdims=True)
    lo = (lax.broadcasted_iota(jnp.int32, (r, r), 0)
          > lax.broadcasted_iota(jnp.int32, (r, r), 1)).astype(jnp.float32)
    ro = lax.dot_general(lo, rs, (((1,), (0,)), ((), ())))
    cc = cs + ro
    k = jnp.max(cc)
    v = (lax.broadcasted_iota(jnp.int32, (r, l), 0) * l
         + lax.broadcasted_iota(jnp.int32, (r, l), 1)).astype(jnp.float32)
    dest = jnp.where(c > 0.5, cc - 1.0, k + v - cc)
    dest_ref[...] = dest.astype(jnp.int32)


NB = 2


def _sc_scatter_body(pre_hbm, dest_hbm, out_hbm, rows_v, idx_v, sems):
    wid = lax.axis_index("s") * NC + lax.axis_index("c")
    base0 = wid * RPW

    def issue(i, b):
        base = base0 + i * G
        pltpu.sync_copy(dest_hbm.at[pl.ds(base, G)], idx_v[b])
        pltpu.sync_copy(pre_hbm.at[pl.ds(base, G)], rows_v[b])
        pltpu.async_copy(rows_v[b], out_hbm.at[idx_v[b]], sems[b])

    for b in range(NB):
        issue(b, b)

    def round_(o, carry):
        for b in range(NB):
            i = o * NB + b
            pltpu.make_async_copy(rows_v[b], out_hbm.at[idx_v[b]],
                                  sems[b]).wait()
            issue(i, b)
        return carry

    lax.fori_loop(1, CHUNKS // NB, round_, 0)

    for b in range(NB):
        pltpu.make_async_copy(rows_v[b], out_hbm.at[idx_v[b]], sems[b]).wait()


@functools.cache
def _sc_scatter():
    return pl.kernel(
        _sc_scatter_body,
        out_type=jax.ShapeDtypeStruct((N, CP), jnp.float32),
        mesh=plsc.VectorSubcoreMesh(core_axis_name="c", subcore_axis_name="s"),
        scratch_types=[
            [pltpu.VMEM((G, CP), jnp.float32) for _ in range(NB)],
            [pltpu.VMEM((G,), jnp.int32) for _ in range(NB)],
            [pltpu.SemaphoreType.DMA for _ in range(NB)],
        ],
    )


def kernel(logits, gt, threshold, temperature_single):
    y2 = gt.reshape(N, 1)
    thr = jnp.asarray(threshold, jnp.float32)
    invt = jnp.float32(1.0) / temperature_single[0].astype(jnp.float32)
    params = jnp.stack([thr, invt]).reshape(1, 2)

    pre, dest2d = pl.pallas_call(
        _entropy_body,
        grid=(8, 8),
        in_specs=[
            pl.BlockSpec(memory_space=pltpu.SMEM),
            pl.BlockSpec((1, C, 16, 128), lambda b, i: (b, 0, i, 0)),
            pl.BlockSpec((RB, 1), lambda b, i: (b * 8 + i, 0)),
        ],
        out_specs=[
            pl.BlockSpec((RB, CP), lambda b, i: (b * 8 + i, 0)),
            pl.BlockSpec((ROWS_2D, 128), lambda b, i: (0, 0)),
        ],
        out_shape=[
            jax.ShapeDtypeStruct((N, CP), jnp.float32),
            jax.ShapeDtypeStruct((ROWS_2D, 128), jnp.int32),
        ],
        scratch_shapes=[pltpu.VMEM((ROWS_2D, 128), jnp.int32)],
    )(params, logits, y2)

    out_pad = _sc_scatter()(pre, dest2d.reshape(N))
    cal_logits = out_pad[:, :C]
    cal_gt = lax.bitcast_convert_type(out_pad[:, C], jnp.int32)
    return (cal_logits, cal_gt)

# --- scband reference (transcript-rebuilt; emitter-appended) ---
"""Pipeline reference for scband-meta-scaling-3341484556721 (READ-ONLY COPY).

The authoritative reference and input builder live on the scoring server;
editing this copy changes nothing except your own understanding.
"""

import jax, jax.numpy as jnp
import numpy as np

NUM_CLASS = 150

def setup_inputs(seed: int = 0) -> dict:
    key = jax.random.key(seed)
    k1, k2 = jax.random.split(key)
    logits = jax.random.normal(k1, (8, NUM_CLASS, 128, 128), dtype=jnp.float32)
    gt = jax.random.randint(k2, (8, 128, 128), 0, NUM_CLASS, dtype=jnp.int32)
    threshold = 5
    # learned parameter of the module (temperature_single, initialized to ones(1))
    temperature_single = jnp.ones((1,), dtype=jnp.float32)
    return {"logits": logits, "gt": gt, "threshold": threshold, "temperature_single": temperature_single}

def reference(logits, gt, threshold, temperature_single):
    # eval-mode path of Meta_Scaling.forward (module assumed in .eval();
    # the train path uses np.random inside forward and is nondeterministic).
    C = logits.shape[1]
    x2 = jnp.transpose(logits, (0, 2, 3, 1)).reshape(-1, C)
    y2 = gt.reshape(-1)
    p = jax.nn.softmax(x2, axis=-1)
    scores_x2 = jnp.sum(-p * jnp.log(p), axis=-1)
    cond_ind = scores_x2 < threshold
    # torch: cal_logits = cat(x2[cond]/T, ones_like(x2[~cond])); cal_gt = cat(y2[cond], y2[~cond])
    # Reproduce with a stable sort that puts cond rows first (boolean masking order is stable).
    order = jnp.argsort(jnp.logical_not(cond_ind).astype(jnp.int32), stable=True)
    gathered = jnp.take(x2, order, axis=0)
    mask = jnp.take(cond_ind, order, axis=0)
    temperature = temperature_single  # broadcasts like .expand(cal_logits.size())
    scaled = gathered / temperature
    cal_logits = jnp.where(mask[:, None], scaled, jnp.ones_like(scaled))
    cal_gt = jnp.take(y2, order, axis=0)
    return (cal_logits, cal_gt)

if __name__ == "__main__":
    import jax
    _d = setup_inputs()
    print(jax.jit(kernel)(*tuple(_d.values())))

</pallas_src>

<mosaic_0001>
#map = affine_map<(d0, d1) -> (0, 0)>
#map1 = affine_map<(d0, d1) -> (0)>
module attributes {stable_mosaic.version = 14 : i64} {
  func.func @_sc_scatter_body(%arg0: i32, %arg1: i32, %arg2: memref<131072x256xf32, #tpu.memory_space<hbm>>, %arg3: memref<131072xi32, #tpu.memory_space<hbm>>, %arg4: memref<131072x256xf32, #tpu.memory_space<hbm>>, %arg5: memref<128x256xf32, #tpu.memory_space<vmem>>, %arg6: memref<128x256xf32, #tpu.memory_space<vmem>>, %arg7: memref<128xi32, #tpu.memory_space<vmem>>, %arg8: memref<128xi32, #tpu.memory_space<vmem>>, %arg9: memref<!tpu.dma_semaphore, #tpu.memory_space<semaphore_mem>>, %arg10: memref<!tpu.dma_semaphore, #tpu.memory_space<semaphore_mem>>) attributes {dimension_semantics = [#tpu.dimension_semantics<core_parallel>, #tpu.dimension_semantics<subcore_parallel>], iteration_bounds = array<i64: 2, 16>, scalar_prefetch = 0 : i64, scratch_operands = 6 : i64, tpu.core_type = #tpu.core_type<sc_vector_subcore>, window_params = [{transform_indices = #map}, {transform_indices = #map1}, {transform_indices = #map}]} {
    %mul3A = arith.constant 2 : i32
    %mul3A_0 = arith.muli %arg1, %mul3A : i32
    %add3A = arith.addi %mul3A_0, %arg0 : i32
    %mul3A_1 = arith.constant 4096 : i32
    %mul3A_2 = arith.muli %add3A, %mul3A_1 : i32
    %add3A_3 = arith.constant 0 : i32
    %add3A_4 = arith.addi %mul3A_2, %add3A_3 : i32
    "tpu.region"() ({
      %run_scoped3A = tpu.sem_alloc : memref<!tpu.dma_semaphore, #tpu.memory_space<semaphore_mem>>
      %dma_start3A_22 = tpu.memref_slice %arg3[%add3A_4] : memref<131072xi32, #tpu.memory_space<hbm>> -> memref<128xi32, #tpu.memory_space<hbm>>
      %dma_start3A_23 = tpu.memref_slice %arg3[%add3A_4] : memref<131072xi32, #tpu.memory_space<hbm>> -> memref<128xi32, #tpu.memory_space<hbm>>
      tpu.enqueue_dma source(%dma_start3A_23 : memref<128xi32, #tpu.memory_space<hbm>>) target(%arg7 : memref<128xi32, #tpu.memory_space<vmem>>) target_semaphore(%run_scoped3A : memref<!tpu.dma_semaphore, #tpu.memory_space<semaphore_mem>>)
      %dma_wait3A_24 = tpu.memref_slice %arg3[%add3A_4] : memref<131072xi32, #tpu.memory_space<hbm>> -> memref<128xi32, #tpu.memory_space<hbm>>
      %dma_wait3A_25 = tpu.memref_slice %arg3[%add3A_4] : memref<131072xi32, #tpu.memory_space<hbm>> -> memref<128xi32, #tpu.memory_space<hbm>>
      tpu.wait_dma2 semaphore(%run_scoped3A : memref<!tpu.dma_semaphore, #tpu.memory_space<semaphore_mem>>) src(%dma_wait3A_25 : memref<128xi32, #tpu.memory_space<hbm>>) dst(%arg7 : memref<128xi32, #tpu.memory_space<vmem>>)
      tpu.yield
    }) : () -> ()
    "tpu.region"() ({
      %run_scoped3A = tpu.sem_alloc : memref<!tpu.dma_semaphore, #tpu.memory_space<semaphore_mem>>
      %dma_start3A_22 = arith.constant 0 : i32
      %dma_start3A_23 = tpu.memref_slice %arg2[%add3A_4, %dma_start3A_22] : memref<131072x256xf32, #tpu.memory_space<hbm>> -> memref<128x256xf32, #tpu.memory_space<hbm>>
      %dma_start3A_24 = arith.constant 0 : i32
      %dma_start3A_25 = tpu.memref_slice %arg2[%add3A_4, %dma_start3A_24] : memref<131072x256xf32, #tpu.memory_space<hbm>> -> memref<128x256xf32, #tpu.memory_space<hbm>>
      tpu.enqueue_dma source(%dma_start3A_25 : memref<128x256xf32, #tpu.memory_space<hbm>>) target(%arg5 : memref<128x256xf32, #tpu.memory_space<vmem>>) target_semaphore(%run_scoped3A : memref<!tpu.dma_semaphore, #tpu.memory_space<semaphore_mem>>)
      %dma_wait3A_26 = arith.constant 0 : i32
      %dma_wait3A_27 = tpu.memref_slice %arg2[%add3A_4, %dma_wait3A_26] : memref<131072x256xf32, #tpu.memory_space<hbm>> -> memref<128x256xf32, #tpu.memory_space<hbm>>
      %dma_wait3A_28 = arith.constant 0 : i32
      %dma_wait3A_29 = tpu.memref_slice %arg2[%add3A_4, %dma_wait3A_28] : memref<131072x256xf32, #tpu.memory_space<hbm>> -> memref<128x256xf32, #tpu.memory_space<hbm>>
      tpu.wait_dma2 semaphore(%run_scoped3A : memref<!tpu.dma_semaphore, #tpu.memory_space<semaphore_mem>>) src(%dma_wait3A_29 : memref<128x256xf32, #tpu.memory_space<hbm>>) dst(%arg5 : memref<128x256xf32, #tpu.memory_space<vmem>>)
      tpu.yield
    }) : () -> ()
    %dma_start3A = arith.constant 0 : i32
    %dma_start3A_5 = arith.constant 0 : i32
    %dma_start3A_6 = tpu.memref_slice %arg4[%dma_start3A, %dma_start3A_5] : memref<131072x256xf32, #tpu.memory_space<hbm>> -> memref<131072x256xf32, #tpu.memory_space<hbm>>
    tpu.enqueue_indirect_dma source(%arg5 : memref<128x256xf32, #tpu.memory_space<vmem>>) target(%dma_start3A_6 : memref<131072x256xf32, #tpu.memory_space<hbm>>) offsets(%arg7 : memref<128xi32, #tpu.memory_space<vmem>>) semaphore(%arg9 : memref<!tpu.dma_semaphore, #tpu.memory_space<semaphore_mem>>)
    %add3A_7 = arith.constant 128 : i32
    %add3A_8 = arith.addi %mul3A_2, %add3A_7 : i32
    "tpu.region"() ({
      %run_scoped3A = tpu.sem_alloc : memref<!tpu.dma_semaphore, #tpu.memory_space<semaphore_mem>>
      %dma_start3A_22 = tpu.memref_slice %arg3[%add3A_8] : memref<131072xi32, #tpu.memory_space<hbm>> -> memref<128xi32, #tpu.memory_space<hbm>>
      %dma_start3A_23 = tpu.memref_slice %arg3[%add3A_8] : memref<131072xi32, #tpu.memory_space<hbm>> -> memref<128xi32, #tpu.memory_space<hbm>>
      tpu.enqueue_dma source(%dma_start3A_23 : memref<128xi32, #tpu.memory_space<hbm>>) target(%arg8 : memref<128xi32, #tpu.memory_space<vmem>>) target_semaphore(%run_scoped3A : memref<!tpu.dma_semaphore, #tpu.memory_space<semaphore_mem>>)
      %dma_wait3A_24 = tpu.memref_slice %arg3[%add3A_8] : memref<131072xi32, #tpu.memory_space<hbm>> -> memref<128xi32, #tpu.memory_space<hbm>>
      %dma_wait3A_25 = tpu.memref_slice %arg3[%add3A_8] : memref<131072xi32, #tpu.memory_space<hbm>> -> memref<128xi32, #tpu.memory_space<hbm>>
      tpu.wait_dma2 semaphore(%run_scoped3A : memref<!tpu.dma_semaphore, #tpu.memory_space<semaphore_mem>>) src(%dma_wait3A_25 : memref<128xi32, #tpu.memory_space<hbm>>) dst(%arg8 : memref<128xi32, #tpu.memory_space<vmem>>)
      tpu.yield
    }) : () -> ()
    "tpu.region"() ({
      %run_scoped3A = tpu.sem_alloc : memref<!tpu.dma_semaphore, #tpu.memory_space<semaphore_mem>>
      %dma_start3A_22 = arith.constant 0 : i32
      %dma_start3A_23 = tpu.memref_slice %arg2[%add3A_8, %dma_start3A_22] : memref<131072x256xf32, #tpu.memory_space<hbm>> -> memref<128x256xf32, #tpu.memory_space<hbm>>
      %dma_start3A_24 = arith.constant 0 : i32
      %dma_start3A_25 = tpu.memref_slice %arg2[%add3A_8, %dma_start3A_24] : memref<131072x256xf32, #tpu.memory_space<hbm>> -> memref<128x256xf32, #tpu.memory_space<hbm>>
      tpu.enqueue_dma source(%dma_start3A_25 : memref<128x256xf32, #tpu.memory_space<hbm>>) target(%arg6 : memref<128x256xf32, #tpu.memory_space<vmem>>) target_semaphore(%run_scoped3A : memref<!tpu.dma_semaphore, #tpu.memory_space<semaphore_mem>>)
      %dma_wait3A_26 = arith.constant 0 : i32
      %dma_wait3A_27 = tpu.memref_slice %arg2[%add3A_8, %dma_wait3A_26] : memref<131072x256xf32, #tpu.memory_space<hbm>> -> memref<128x256xf32, #tpu.memory_space<hbm>>
      %dma_wait3A_28 = arith.constant 0 : i32
      %dma_wait3A_29 = tpu.memref_slice %arg2[%add3A_8, %dma_wait3A_28] : memref<131072x256xf32, #tpu.memory_space<hbm>> -> memref<128x256xf32, #tpu.memory_space<hbm>>
      tpu.wait_dma2 semaphore(%run_scoped3A : memref<!tpu.dma_semaphore, #tpu.memory_space<semaphore_mem>>) src(%dma_wait3A_29 : memref<128x256xf32, #tpu.memory_space<hbm>>) dst(%arg6 : memref<128x256xf32, #tpu.memory_space<vmem>>)
      tpu.yield
    }) : () -> ()
    %dma_start3A_9 = arith.constant 0 : i32
    %dma_start3A_10 = arith.constant 0 : i32
    %dma_start3A_11 = tpu.memref_slice %arg4[%dma_start3A_9, %dma_start3A_10] : memref<131072x256xf32, #tpu.memory_space<hbm>> -> memref<131072x256xf32, #tpu.memory_space<hbm>>
    tpu.enqueue_indirect_dma source(%arg6 : memref<128x256xf32, #tpu.memory_space<vmem>>) target(%dma_start3A_11 : memref<131072x256xf32, #tpu.memory_space<hbm>>) offsets(%arg8 : memref<128xi32, #tpu.memory_space<vmem>>) semaphore(%arg10 : memref<!tpu.dma_semaphore, #tpu.memory_space<semaphore_mem>>)
    %scan3A = arith.constant 0 : i32
    %scan3A_12 = arith.constant 1 : i32
    %scan3A_13 = arith.constant 15 : i32
    %scan3A_14 = arith.addi %scan3A_12, %scan3A_13 : i32
    %scan3A_15 = arith.constant 1 : i32
    scf.for %scan3A_22 = %scan3A_12 to %scan3A_14 step %scan3A_15  : i32 {
      %mul3A_23 = arith.constant 2 : i32
      %mul3A_24 = arith.muli %scan3A_22, %mul3A_23 : i32
      %add3A_25 = arith.constant 0 : i32
      %add3A_26 = arith.addi %mul3A_24, %add3A_25 : i32
      %dma_wait3A_27 = arith.constant 0 : i32
      %dma_wait3A_28 = arith.constant 0 : i32
      %dma_wait3A_29 = tpu.memref_slice %arg4[%dma_wait3A_27, %dma_wait3A_28] : memref<131072x256xf32, #tpu.memory_space<hbm>> -> memref<131072x256xf32, #tpu.memory_space<hbm>>
      tpu.wait_indirect_dma semaphore(%arg9 : memref<!tpu.dma_semaphore, #tpu.memory_space<semaphore_mem>>) src(%arg5 : memref<128x256xf32, #tpu.memory_space<vmem>>) dst(%dma_wait3A_29 : memref<131072x256xf32, #tpu.memory_space<hbm>>)
      %mul3A_30 = arith.constant 128 : i32
      %mul3A_31 = arith.muli %add3A_26, %mul3A_30 : i32
      %add3A_32 = arith.addi %mul3A_2, %mul3A_31 : i32
      "tpu.region"() ({
        %run_scoped3A = tpu.sem_alloc : memref<!tpu.dma_semaphore, #tpu.memory_space<semaphore_mem>>
        %dma_start3A_49 = tpu.memref_slice %arg3[%add3A_32] : memref<131072xi32, #tpu.memory_space<hbm>> -> memref<128xi32, #tpu.memory_space<hbm>>
        %dma_start3A_50 = tpu.memref_slice %arg3[%add3A_32] : memref<131072xi32, #tpu.memory_space<hbm>> -> memref<128xi32, #tpu.memory_space<hbm>>
        tpu.enqueue_dma source(%dma_start3A_50 : memref<128xi32, #tpu.memory_space<hbm>>) target(%arg7 : memref<128xi32, #tpu.memory_space<vmem>>) target_semaphore(%run_scoped3A : memref<!tpu.dma_semaphore, #tpu.memory_space<semaphore_mem>>)
        %dma_wait3A_51 = tpu.memref_slice %arg3[%add3A_32] : memref<131072xi32, #tpu.memory_space<hbm>> -> memref<128xi32, #tpu.memory_space<hbm>>
        %dma_wait3A_52 = tpu.memref_slice %arg3[%add3A_32] : memref<131072xi32, #tpu.memory_space<hbm>> -> memref<128xi32, #tpu.memory_space<hbm>>
        tpu.wait_dma2 semaphore(%run_scoped3A : memref<!tpu.dma_semaphore, #tpu.memory_space<semaphore_mem>>) src(%dma_wait3A_52 : memref<128xi32, #tpu.memory_space<hbm>>) dst(%arg7 : memref<128xi32, #tpu.memory_space<vmem>>)
        tpu.yield
      }) : () -> ()
      "tpu.region"() ({
        %run_scoped3A = tpu.sem_alloc : memref<!tpu.dma_semaphore, #tpu.memory_space<semaphore_mem>>
        %dma_start3A_49 = arith.constant 0 : i32
        %dma_start3A_50 = tpu.memref_slice %arg2[%add3A_32, %dma_start3A_49] : memref<131072x256xf32, #tpu.memory_space<hbm>> -> memref<128x256xf32, #tpu.memory_space<hbm>>
        %dma_start3A_51 = arith.constant 0 : i32
        %dma_start3A_52 = tpu.memref_slice %arg2[%add3A_32, %dma_start3A_51] : memref<131072x256xf32, #tpu.memory_space<hbm>> -> memref<128x256xf32, #tpu.memory_space<hbm>>
        tpu.enqueue_dma source(%dma_start3A_52 : memref<128x256xf32, #tpu.memory_space<hbm>>) target(%arg5 : memref<128x256xf32, #tpu.memory_space<vmem>>) target_semaphore(%run_scoped3A : memref<!tpu.dma_semaphore, #tpu.memory_space<semaphore_mem>>)
        %dma_wait3A_53 = arith.constant 0 : i32
        %dma_wait3A_54 = tpu.memref_slice %arg2[%add3A_32, %dma_wait3A_53] : memref<131072x256xf32, #tpu.memory_space<hbm>> -> memref<128x256xf32, #tpu.memory_space<hbm>>
        %dma_wait3A_55 = arith.constant 0 : i32
        %dma_wait3A_56 = tpu.memref_slice %arg2[%add3A_32, %dma_wait3A_55] : memref<131072x256xf32, #tpu.memory_space<hbm>> -> memref<128x256xf32, #tpu.memory_space<hbm>>
        tpu.wait_dma2 semaphore(%run_scoped3A : memref<!tpu.dma_semaphore, #tpu.memory_space<semaphore_mem>>) src(%dma_wait3A_56 : memref<128x256xf32, #tpu.memory_space<hbm>>) dst(%arg5 : memref<128x256xf32, #tpu.memory_space<vmem>>)
        tpu.yield
      }) : () -> ()
      %dma_start3A_33 = arith.constant 0 : i32
      %dma_start3A_34 = arith.constant 0 : i32
      %dma_start3A_35 = tpu.memref_slice %arg4[%dma_start3A_33, %dma_start3A_34] : memref<131072x256xf32, #tpu.memory_space<hbm>> -> memref<131072x256xf32, #tpu.memory_space<hbm>>
      tpu.enqueue_indirect_dma source(%arg5 : memref<128x256xf32, #tpu.memory_space<vmem>>) target(%dma_start3A_35 : memref<131072x256xf32, #tpu.memory_space<hbm>>) offsets(%arg7 : memref<128xi32, #tpu.memory_space<vmem>>) semaphore(%arg9 : memref<!tpu.dma_semaphore, #tpu.memory_space<semaphore_mem>>)
      %mul3A_36 = arith.constant 2 : i32
      %mul3A_37 = arith.muli %scan3A_22, %mul3A_36 : i32
      %add3A_38 = arith.constant 1 : i32
      %add3A_39 = arith.addi %mul3A_37, %add3A_38 : i32
      %dma_wait3A_40 = arith.constant 0 : i32
      %dma_wait3A_41 = arith.constant 0 : i32
      %dma_wait3A_42 = tpu.memref_slice %arg4[%dma_wait3A_40, %dma_wait3A_41] : memref<131072x256xf32, #tpu.memory_space<hbm>> -> memref<131072x256xf32, #tpu.memory_space<hbm>>
      tpu.wait_indirect_dma semaphore(%arg10 : memref<!tpu.dma_semaphore, #tpu.memory_space<semaphore_mem>>) src(%arg6 : memref<128x256xf32, #tpu.memory_space<vmem>>) dst(%dma_wait3A_42 : memref<131072x256xf32, #tpu.memory_space<hbm>>)
      %mul3A_43 = arith.constant 128 : i32
      %mul3A_44 = arith.muli %add3A_39, %mul3A_43 : i32
      %add3A_45 = arith.addi %mul3A_2, %mul3A_44 : i32
      "tpu.region"() ({
        %run_scoped3A = tpu.sem_alloc : memref<!tpu.dma_semaphore, #tpu.memory_space<semaphore_mem>>
        %dma_start3A_49 = tpu.memref_slice %arg3[%add3A_45] : memref<131072xi32, #tpu.memory_space<hbm>> -> memref<128xi32, #tpu.memory_space<hbm>>
        %dma_start3A_50 = tpu.memref_slice %arg3[%add3A_45] : memref<131072xi32, #tpu.memory_space<hbm>> -> memref<128xi32, #tpu.memory_space<hbm>>
        tpu.enqueue_dma source(%dma_start3A_50 : memref<128xi32, #tpu.memory_space<hbm>>) target(%arg8 : memref<128xi32, #tpu.memory_space<vmem>>) target_semaphore(%run_scoped3A : memref<!tpu.dma_semaphore, #tpu.memory_space<semaphore_mem>>)
        %dma_wait3A_51 = tpu.memref_slice %arg3[%add3A_45] : memref<131072xi32, #tpu.memory_space<hbm>> -> memref<128xi32, #tpu.memory_space<hbm>>
        %dma_wait3A_52 = tpu.memref_slice %arg3[%add3A_45] : memref<131072xi32, #tpu.memory_space<hbm>> -> memref<128xi32, #tpu.memory_space<hbm>>
        tpu.wait_dma2 semaphore(%run_scoped3A : memref<!tpu.dma_semaphore, #tpu.memory_space<semaphore_mem>>) src(%dma_wait3A_52 : memref<128xi32, #tpu.memory_space<hbm>>) dst(%arg8 : memref<128xi32, #tpu.memory_space<vmem>>)
        tpu.yield
      }) : () -> ()
      "tpu.region"() ({
        %run_scoped3A = tpu.sem_alloc : memref<!tpu.dma_semaphore, #tpu.memory_space<semaphore_mem>>
        %dma_start3A_49 = arith.constant 0 : i32
        %dma_start3A_50 = tpu.memref_slice %arg2[%add3A_45, %dma_start3A_49] : memref<131072x256xf32, #tpu.memory_space<hbm>> -> memref<128x256xf32, #tpu.memory_space<hbm>>
        %dma_start3A_51 = arith.constant 0 : i32
        %dma_start3A_52 = tpu.memref_slice %arg2[%add3A_45, %dma_start3A_51] : memref<131072x256xf32, #tpu.memory_space<hbm>> -> memref<128x256xf32, #tpu.memory_space<hbm>>
        tpu.enqueue_dma source(%dma_start3A_52 : memref<128x256xf32, #tpu.memory_space<hbm>>) target(%arg6 : memref<128x256xf32, #tpu.memory_space<vmem>>) target_semaphore(%run_scoped3A : memref<!tpu.dma_semaphore, #tpu.memory_space<semaphore_mem>>)
        %dma_wait3A_53 = arith.constant 0 : i32
        %dma_wait3A_54 = tpu.memref_slice %arg2[%add3A_45, %dma_wait3A_53] : memref<131072x256xf32, #tpu.memory_space<hbm>> -> memref<128x256xf32, #tpu.memory_space<hbm>>
        %dma_wait3A_55 = arith.constant 0 : i32
        %dma_wait3A_56 = tpu.memref_slice %arg2[%add3A_45, %dma_wait3A_55] : memref<131072x256xf32, #tpu.memory_space<hbm>> -> memref<128x256xf32, #tpu.memory_space<hbm>>
        tpu.wait_dma2 semaphore(%run_scoped3A : memref<!tpu.dma_semaphore, #tpu.memory_space<semaphore_mem>>) src(%dma_wait3A_56 : memref<128x256xf32, #tpu.memory_space<hbm>>) dst(%arg6 : memref<128x256xf32, #tpu.memory_space<vmem>>)
        tpu.yield
      }) : () -> ()
      %dma_start3A_46 = arith.constant 0 : i32
      %dma_start3A_47 = arith.constant 0 : i32
      %dma_start3A_48 = tpu.memref_slice %arg4[%dma_start3A_46, %dma_start3A_47] : memref<131072x256xf32, #tpu.memory_space<hbm>> -> memref<131072x256xf32, #tpu.memory_space<hbm>>
      tpu.enqueue_indirect_dma source(%arg6 : memref<128x256xf32, #tpu.memory_space<vmem>>) target(%dma_start3A_48 : memref<131072x256xf32, #tpu.memory_space<hbm>>) offsets(%arg8 : memref<128xi32, #tpu.memory_space<vmem>>) semaphore(%arg10 : memref<!tpu.dma_semaphore, #tpu.memory_space<semaphore_mem>>)
    }
    %scan3A_16 = arith.constant 15 : i32
    %dma_wait3A = arith.constant 0 : i32
    %dma_wait3A_17 = arith.constant 0 : i32
    %dma_wait3A_18 = tpu.memref_slice %arg4[%dma_wait3A, %dma_wait3A_17] : memref<131072x256xf32, #tpu.memory_space<hbm>> -> memref<131072x256xf32, #tpu.memory_space<hbm>>
    tpu.wait_indirect_dma semaphore(%arg9 : memref<!tpu.dma_semaphore, #tpu.memory_space<semaphore_mem>>) src(%arg5 : memref<128x256xf32, #tpu.memory_space<vmem>>) dst(%dma_wait3A_18 : memref<131072x256xf32, #tpu.memory_space<hbm>>)
    %dma_wait3A_19 = arith.constant 0 : i32
    %dma_wait3A_20 = arith.constant 0 : i32
    %dma_wait3A_21 = tpu.memref_slice %arg4[%dma_wait3A_19, %dma_wait3A_20] : memref<131072x256xf32, #tpu.memory_space<hbm>> -> memref<131072x256xf32, #tpu.memory_space<hbm>>
    tpu.wait_indirect_dma semaphore(%arg10 : memref<!tpu.dma_semaphore, #tpu.memory_space<semaphore_mem>>) src(%arg6 : memref<128x256xf32, #tpu.memory_space<vmem>>) dst(%dma_wait3A_21 : memref<131072x256xf32, #tpu.memory_space<hbm>>)
    return
  }
}

module attributes {stable_mosaic.version = 14 : i64} {
  func.func @_entropy_body(%arg0: i32, %arg1: i32, %arg2: memref<1x2xf32, #tpu.memory_space<smem>>, %arg3: memref<1x150x16x128xf32, #tpu.memory_space<vmem>>, %arg4: memref<2048x1xi32, #tpu.memory_space<vmem>>, %arg5: memref<2048x256xf32, #tpu.memory_space<vmem>>, %arg6: memref<1024x128xi32, #tpu.memory_space<vmem>>, %arg7: memref<1024x128xi32, #tpu.memory_space<vmem>>) attributes {dimension_semantics = [#tpu.dimension_semantics<arbitrary>, #tpu.dimension_semantics<arbitrary>], iteration_bounds = array<i64: 8, 8>, scalar_prefetch = 0 : i64, scratch_operands = 1 : i64, tpu.core_type = #tpu.core_type<tc>, window_params = [{transform_indices = @transform_0, window_bounds = array<i64: 1, 2>}, {transform_indices = @transform_1, window_bounds = array<i64: 1, 150, 16, 128>}, {transform_indices = @transform_2, window_bounds = array<i64: 2048, 1>}, {transform_indices = @transform_3, window_bounds = array<i64: 2048, 256>}, {pipeline_mode = #tpu.pipeline_mode<synchronous>, transform_indices = @transform_4, window_bounds = array<i64: 1024, 128>}]} {
    %get3A = arith.constant 0 : index
    %get3A_0 = arith.constant 0 : index
    %get3A_1 = arith.constant 0 : index
    %get3A_2 = arith.constant 0 : index
    %get3A_3 = vector.load %arg3[%get3A, %get3A_0, %get3A_1, %get3A_2] : memref<1x150x16x128xf32, #tpu.memory_space<vmem>>, vector<1x150x1x128xf32>
    %get3A_4 = vector.shape_cast %get3A_3 : vector<1x150x1x128xf32> to vector<150x128xf32>
    %transpose3A = tpu.transpose %get3A_4, [1, 0] : vector<150x128xf32> -> vector<128x150xf32>
    %get3A_5 = arith.constant 0 : index
    %get3A_6 = arith.constant 0 : index
    %get3A_7 = arith.constant 1 : index
    %get3A_8 = arith.constant 0 : index
    %get3A_9 = vector.load %arg3[%get3A_5, %get3A_6, %get3A_7, %get3A_8] : memref<1x150x16x128xf32, #tpu.memory_space<vmem>>, vector<1x150x1x128xf32>
    %get3A_10 = vector.shape_cast %get3A_9 : vector<1x150x1x128xf32> to vector<150x128xf32>
    %transpose3A_11 = tpu.transpose %get3A_10, [1, 0] : vector<150x128xf32> -> vector<128x150xf32>
    %get3A_12 = arith.constant 0 : index
    %get3A_13 = arith.constant 0 : index
    %get3A_14 = arith.constant 2 : index
    %get3A_15 = arith.constant 0 : index
    %get3A_16 = vector.load %arg3[%get3A_12, %get3A_13, %get3A_14, %get3A_15] : memref<1x150x16x128xf32, #tpu.memory_space<vmem>>, vector<1x150x1x128xf32>
    %get3A_17 = vector.shape_cast %get3A_16 : vector<1x150x1x128xf32> to vector<150x128xf32>
    %transpose3A_18 = tpu.transpose %get3A_17, [1, 0] : vector<150x128xf32> -> vector<128x150xf32>
    %get3A_19 = arith.constant 0 : index
    %get3A_20 = arith.constant 0 : index
    %get3A_21 = arith.constant 3 : index
    %get3A_22 = arith.constant 0 : index
    %get3A_23 = vector.load %arg3[%get3A_19, %get3A_20, %get3A_21, %get3A_22] : memref<1x150x16x128xf32, #tpu.memory_space<vmem>>, vector<1x150x1x128xf32>
    %get3A_24 = vector.shape_cast %get3A_23 : vector<1x150x1x128xf32> to vector<150x128xf32>
    %transpose3A_25 = tpu.transpose %get3A_24, [1, 0] : vector<150x128xf32> -> vector<128x150xf32>
    %get3A_26 = arith.constant 0 : index
    %get3A_27 = arith.constant 0 : index
    %get3A_28 = arith.constant 4 : index
    %get3A_29 = arith.constant 0 : index
    %get3A_30 = vector.load %arg3[%get3A_26, %get3A_27, %get3A_28, %get3A_29] : memref<1x150x16x128xf32, #tpu.memory_space<vmem>>, vector<1x150x1x128xf32>
    %get3A_31 = vector.shape_cast %get3A_30 : vector<1x150x1x128xf32> to vector<150x128xf32>
    %transpose3A_32 = tpu.transpose %get3A_31, [1, 0] : vector<150x128xf32> -> vector<128x150xf32>
    %get3A_33 = arith.constant 0 : index
    %get3A_34 = arith.constant 0 : index
    %get3A_35 = arith.constant 5 : index
    %get3A_36 = arith.constant 0 : index
    %get3A_37 = vector.load %arg3[%get3A_33, %get3A_34, %get3A_35, %get3A_36] : memref<1x150x16x128xf32, #tpu.memory_space<vmem>>, vector<1x150x1x128xf32>
    %get3A_38 = vector.shape_cast %get3A_37 : vector<1x150x1x128xf32> to vector<150x128xf32>
    %transpose3A_39 = tpu.transpose %get3A_38, [1, 0] : vector<150x128xf32> -> vector<128x150xf32>
    %get3A_40 = arith.constant 0 : index
    %get3A_41 = arith.constant 0 : index
    %get3A_42 = arith.constant 6 : index
    %get3A_43 = arith.constant 0 : index
    %get3A_44 = vector.load %arg3[%get3A_40, %get3A_41, %get3A_42, %get3A_43] : memref<1x150x16x128xf32, #tpu.memory_space<vmem>>, vector<1x150x1x128xf32>
    %get3A_45 = vector.shape_cast %get3A_44 : vector<1x150x1x128xf32> to vector<150x128xf32>
    %transpose3A_46 = tpu.transpose %get3A_45, [1, 0] : vector<150x128xf32> -> vector<128x150xf32>
    %get3A_47 = arith.constant 0 : index
    %get3A_48 = arith.constant 0 : index
    %get3A_49 = arith.constant 7 : index
    %get3A_50 = arith.constant 0 : index
    %get3A_51 = vector.load %arg3[%get3A_47, %get3A_48, %get3A_49, %get3A_50] : memref<1x150x16x128xf32, #tpu.memory_space<vmem>>, vector<1x150x1x128xf32>
    %get3A_52 = vector.shape_cast %get3A_51 : vector<1x150x1x128xf32> to vector<150x128xf32>
    %transpose3A_53 = tpu.transpose %get3A_52, [1, 0] : vector<150x128xf32> -> vector<128x150xf32>
    %get3A_54 = arith.constant 0 : index
    %get3A_55 = arith.constant 0 : index
    %get3A_56 = arith.constant 8 : index
    %get3A_57 = arith.constant 0 : index
    %get3A_58 = vector.load %arg3[%get3A_54, %get3A_55, %get3A_56, %get3A_57] : memref<1x150x16x128xf32, #tpu.memory_space<vmem>>, vector<1x150x1x128xf32>
    %get3A_59 = vector.shape_cast %get3A_58 : vector<1x150x1x128xf32> to vector<150x128xf32>
    %transpose3A_60 = tpu.transpose %get3A_59, [1, 0] : vector<150x128xf32> -> vector<128x150xf32>
    %get3A_61 = arith.constant 0 : index
    %get3A_62 = arith.constant 0 : index
    %get3A_63 = arith.constant 9 : index
    %get3A_64 = arith.constant 0 : index
    %get3A_65 = vector.load %arg3[%get3A_61, %get3A_62, %get3A_63, %get3A_64] : memref<1x150x16x128xf32, #tpu.memory_space<vmem>>, vector<1x150x1x128xf32>
    %get3A_66 = vector.shape_cast %get3A_65 : vector<1x150x1x128xf32> to vector<150x128xf32>
    %transpose3A_67 = tpu.transpose %get3A_66, [1, 0] : vector<150x128xf32> -> vector<128x150xf32>
    %get3A_68 = arith.constant 0 : index
    %get3A_69 = arith.constant 0 : index
    %get3A_70 = arith.constant 10 : index
    %get3A_71 = arith.constant 0 : index
    %get3A_72 = vector.load %arg3[%get3A_68, %get3A_69, %get3A_70, %get3A_71] : memref<1x150x16x128xf32, #tpu.memory_space<vmem>>, vector<1x150x1x128xf32>
    %get3A_73 = vector.shape_cast %get3A_72 : vector<1x150x1x128xf32> to vector<150x128xf32>
    %transpose3A_74 = tpu.transpose %get3A_73, [1, 0] : vector<150x128xf32> -> vector<128x150xf32>
    %get3A_75 = arith.constant 0 : index
    %get3A_76 = arith.constant 0 : index
    %get3A_77 = arith.constant 11 : index
    %get3A_78 = arith.constant 0 : index
    %get3A_79 = vector.load %arg3[%get3A_75, %get3A_76, %get3A_77, %get3A_78] : memref<1x150x16x128xf32, #tpu.memory_space<vmem>>, vector<1x150x1x128xf32>
    %get3A_80 = vector.shape_cast %get3A_79 : vector<1x150x1x128xf32> to vector<150x128xf32>
    %transpose3A_81 = tpu.transpose %get3A_80, [1, 0] : vector<150x128xf32> -> vector<128x150xf32>
    %get3A_82 = arith.constant 0 : index
    %get3A_83 = arith.constant 0 : index
    %get3A_84 = arith.constant 12 : index
    %get3A_85 = arith.constant 0 : index
    %get3A_86 = vector.load %arg3[%get3A_82, %get3A_83, %get3A_84, %get3A_85] : memref<1x150x16x128xf32, #tpu.memory_space<vmem>>, vector<1x150x1x128xf32>
    %get3A_87 = vector.shape_cast %get3A_86 : vector<1x150x1x128xf32> to vector<150x128xf32>
    %transpose3A_88 = tpu.transpose %get3A_87, [1, 0] : vector<150x128xf32> -> vector<128x150xf32>
    %get3A_89 = arith.constant 0 : index
    %get3A_90 = arith.constant 0 : index
    %get3A_91 = arith.constant 13 : index
    %get3A_92 = arith.constant 0 : index
    %get3A_93 = vector.load %arg3[%get3A_89, %get3A_90, %get3A_91, %get3A_92] : memref<1x150x16x128xf32, #tpu.memory_space<vmem>>, vector<1x150x1x128xf32>
    %get3A_94 = vector.shape_cast %get3A_93 : vector<1x150x1x128xf32> to vector<150x128xf32>
    %transpose3A_95 = tpu.transpose %get3A_94, [1, 0] : vector<150x128xf32> -> vector<128x150xf32>
    %get3A_96 = arith.constant 0 : index
    %get3A_97 = arith.constant 0 : index
    %get3A_98 = arith.constant 14 : index
    %get3A_99 = arith.constant 0 : index
    %get3A_100 = vector.load %arg3[%get3A_96, %get3A_97, %get3A_98, %get3A_99] : memref<1x150x16x128xf32, #tpu.memory_space<vmem>>, vector<1x150x1x128xf32>
    %get3A_101 = vector.shape_cast %get3A_100 : vector<1x150x1x128xf32> to vector<150x128xf32>
    %transpose3A_102 = tpu.transpose %get3A_101, [1, 0] : vector<150x128xf32> -> vector<128x150xf32>
    %get3A_103 = arith.constant 0 : index
    %get3A_104 = arith.constant 0 : index
    %get3A_105 = arith.constant 15 : index
    %get3A_106 = arith.constant 0 : index
    %get3A_107 = vector.load %arg3[%get3A_103, %get3A_104, %get3A_105, %get3A_106] : memref<1x150x16x128xf32, #tpu.memory_space<vmem>>, vector<1x150x1x128xf32>
    %get3A_108 = vector.shape_cast %get3A_107 : vector<1x150x1x128xf32> to vector<150x128xf32>
    %transpose3A_109 = tpu.transpose %get3A_108, [1, 0] : vector<150x128xf32> -> vector<128x150xf32>
    %concatenate3A = tpu.concatenate %transpose3A, %transpose3A_11, %transpose3A_18, %transpose3A_25, %transpose3A_32, %transpose3A_39, %transpose3A_46, %transpose3A_53, %transpose3A_60, %transpose3A_67, %transpose3A_74, %transpose3A_81, %transpose3A_88, %transpose3A_95, %transpose3A_102, %transpose3A_109 in 0 : vector<128x150xf32>, vector<128x150xf32>, vector<128x150xf32>, vector<128x150xf32>, vector<128x150xf32>, vector<128x150xf32>, vector<128x150xf32>, vector<128x150xf32>, vector<128x150xf32>, vector<128x150xf32>, vector<128x150xf32>, vector<128x150xf32>, vector<128x150xf32>, vector<128x150xf32>, vector<128x150xf32>, vector<128x150xf32> -> vector<2048x150xf32>
    %get3A_110 = arith.constant 0 : index
    %get3A_111 = arith.constant 0 : index
    %get3A_112 = memref.load %arg2[%get3A_110, %get3A_111] : memref<1x2xf32, #tpu.memory_space<smem>>
    %get3A_113 = arith.constant 0 : index
    %get3A_114 = arith.constant 1 : index
    %get3A_115 = memref.load %arg2[%get3A_113, %get3A_114] : memref<1x2xf32, #tpu.memory_space<smem>>
    %reduce_max3A = arith.constant dense<0xFF800000> : vector<2048xf32>
    %reduce_max3A_116 = vector.multi_reduction <maximumf>, %concatenate3A, %reduce_max3A [1] : vector<2048x150xf32> to vector<2048xf32>
    %broadcast_in_dim3A = vector.shape_cast %reduce_max3A_116 : vector<2048xf32> to vector<2048x1xf32>
    %sub3A = vector.broadcast %broadcast_in_dim3A : vector<2048x1xf32> to vector<2048x150xf32>
    %sub3A_117 = arith.subf %concatenate3A, %sub3A : vector<2048x150xf32>
    %exp3A = math.exp %sub3A_117 : vector<2048x150xf32>
    %reduce_sum3A = arith.constant dense<0.000000e+00> : vector<2048xf32>
    %reduce_sum3A_118 = vector.multi_reduction <add>, %exp3A, %reduce_sum3A [1] : vector<2048x150xf32> to vector<2048xf32>
    %broadcast_in_dim3A_119 = vector.shape_cast %reduce_sum3A_118 : vector<2048xf32> to vector<2048x1xf32>
    %sub3A_120 = vector.broadcast %broadcast_in_dim3A : vector<2048x1xf32> to vector<2048x150xf32>
    %sub3A_121 = arith.subf %concatenate3A, %sub3A_120 : vector<2048x150xf32>
    %mul3A = arith.mulf %exp3A, %sub3A_121 : vector<2048x150xf32>
    %reduce_sum3A_122 = arith.constant dense<0.000000e+00> : vector<2048xf32>
    %reduce_sum3A_123 = vector.multi_reduction <add>, %mul3A, %reduce_sum3A_122 [1] : vector<2048x150xf32> to vector<2048xf32>
    %broadcast_in_dim3A_124 = vector.shape_cast %reduce_sum3A_123 : vector<2048xf32> to vector<2048x1xf32>
    %log3A = math.log %broadcast_in_dim3A_119 : vector<2048x1xf32>
    %div3A = arith.divf %broadcast_in_dim3A_124, %broadcast_in_dim3A_119 : vector<2048x1xf32>
    %sub3A_125 = arith.subf %log3A, %div3A : vector<2048x1xf32>
    %lt3A = vector.broadcast %get3A_112 : f32 to vector<2048x1xf32>
    %lt3A_126 = arith.cmpf olt, %sub3A_125, %lt3A : vector<2048x1xf32>
    %mul3A_127 = vector.broadcast %get3A_115 : f32 to vector<2048x150xf32>
    %mul3A_128 = arith.mulf %concatenate3A, %mul3A_127 : vector<2048x150xf32>
    %jit3A = arith.constant 1.000000e+00 : f32
    %broadcast_in_dim3A_129 = vector.shape_cast %lt3A_126 : vector<2048x1xi1> to vector<2048x1xi1>
    %broadcast_in_dim3A_130 = vector.broadcast %broadcast_in_dim3A_129 : vector<2048x1xi1> to vector<2048x150xi1>
    %broadcast_in_dim3A_131 = vector.broadcast %jit3A : f32 to vector<2048x150xf32>
    %select_n3A = arith.select %broadcast_in_dim3A_130, %mul3A_128, %broadcast_in_dim3A_131 : vector<2048x150xi1>, vector<2048x150xf32>
    %get3A_132 = arith.constant 0 : index
    %get3A_133 = arith.constant 0 : index
    %get3A_134 = vector.load %arg4[%get3A_132, %get3A_133] : memref<2048x1xi32, #tpu.memory_space<vmem>>, vector<2048x1xi32>
    %bitcast_convert_type3A = tpu.bitcast %get3A_134 : vector<2048x1xi32> -> vector<2048x1xf32>
    %broadcast_in_dim3A_135 = arith.constant 0.000000e+00 : f32
    %broadcast_in_dim3A_136 = vector.broadcast %broadcast_in_dim3A_135 : f32 to vector<2048x105xf32>
    %concatenate3A_137 = tpu.concatenate %select_n3A, %bitcast_convert_type3A, %broadcast_in_dim3A_136 in 1 : vector<2048x150xf32>, vector<2048x1xf32>, vector<2048x105xf32> -> vector<2048x256xf32>
    %swap3A = arith.constant 0 : index
    %swap3A_138 = arith.constant 0 : index
    %swap3A_139 = vector.load %arg5[%swap3A, %swap3A_138] : memref<2048x256xf32, #tpu.memory_space<vmem>>, vector<2048x256xf32>
    tpu.vector_store %arg5[%swap3A, %swap3A_138], %concatenate3A_137 {strides = array<i32>} : memref<2048x256xf32, #tpu.memory_space<vmem>>, vector<2048x256xf32>,
    %mul3A_140 = arith.constant 8 : i32
    %mul3A_141 = arith.muli %arg0, %mul3A_140 : i32
    %add3A = arith.addi %mul3A_141, %arg1 : i32
    %convert_element_type3A = arith.extui %lt3A_126 : vector<2048x1xi1> to vector<2048x1xi32>
    %reshape3A = vector.shape_cast %convert_element_type3A : vector<2048x1xi32> to vector<16x128xi32>
    %mul3A_142 = arith.constant 16 : i32
    %mul3A_143 = arith.muli %add3A, %mul3A_142 : i32
    %swap3A_144 = arith.index_cast %mul3A_143 : i32 to index
    %swap3A_145 = arith.constant 0 : index
    %swap3A_146 = vector.load %arg7[%swap3A_144, %swap3A_145] : memref<1024x128xi32, #tpu.memory_space<vmem>>, vector<16x128xi32>
    tpu.vector_store %arg7[%swap3A_144, %swap3A_145], %reshape3A {strides = array<i32>} : memref<1024x128xi32, #tpu.memory_space<vmem>>, vector<16x128xi32>,
    %eq3A = arith.constant 7 : i32
    %eq3A_147 = arith.cmpi eq, %arg0, %eq3A : i32
    %eq3A_148 = arith.constant 7 : i32
    %eq3A_149 = arith.cmpi eq, %arg1, %eq3A_148 : i32
    %and3A = arith.andi %eq3A_147, %eq3A_149 : i1
    %convert_element_type3A_150 = arith.extui %and3A : i1 to i32
    %cond3A = arith.constant 0 : i32
    %cond3A_151 = arith.cmpi ne, %convert_element_type3A_150, %cond3A : i32
    scf.if %cond3A_151 {
      %get3A_152 = arith.constant 0 : index
      %get3A_153 = arith.constant 0 : index
      %get3A_154 = vector.load %arg7[%get3A_152, %get3A_153] : memref<1024x128xi32, #tpu.memory_space<vmem>>, vector<1024x128xi32>
      %convert_element_type3A_155 = arith.sitofp %get3A_154 : vector<1024x128xi32> to vector<1024x128xf32>
      %iota3A = tpu.iota {dimensions = array<i32: 0>} : vector<128x128xi32>
      %iota3A_156 = tpu.iota {dimensions = array<i32: 1>} : vector<128x128xi32>
      %le3A = arith.cmpi sle, %iota3A, %iota3A_156 : vector<128x128xi32>
      %convert_element_type3A_157 = arith.extui %le3A : vector<128x128xi1> to vector<128x128xi32>
      %convert_element_type3A_158 = arith.sitofp %convert_element_type3A_157 : vector<128x128xi32> to vector<128x128xf32>
      %dot_general3A = arith.constant dense<0.000000e+00> : vector<1024x128xf32>
      %dot_general3A_159 = tpu.matmul %convert_element_type3A_155, %convert_element_type3A_158, %dot_general3A {dimension_numbers = #tpu.dot_dimension_numbers<[1], [0], [0], [1], [0, 0, 1, 1], [], []>, transpose_lhs_hint = false} : vector<1024x128xf32>, vector<128x128xf32>, vector<1024x128xf32> -> vector<1024x128xf32>
      %reduce_sum3A_160 = arith.constant dense<0.000000e+00> : vector<1024xf32>
      %reduce_sum3A_161 = vector.multi_reduction <add>, %convert_element_type3A_155, %reduce_sum3A_160 [1] : vector<1024x128xf32> to vector<1024xf32>
      %broadcast_in_dim3A_162 = vector.shape_cast %reduce_sum3A_161 : vector<1024xf32> to vector<1024x1xf32>
      %iota3A_163 = tpu.iota {dimensions = array<i32: 0>} : vector<1024x1024xi32>
      %iota3A_164 = tpu.iota {dimensions = array<i32: 1>} : vector<1024x1024xi32>
      %gt3A = arith.cmpi sgt, %iota3A_163, %iota3A_164 : vector<1024x1024xi32>
      %convert_element_type3A_165 = arith.extui %gt3A : vector<1024x1024xi1> to vector<1024x1024xi32>
      %convert_element_type3A_166 = arith.sitofp %convert_element_type3A_165 : vector<1024x1024xi32> to vector<1024x1024xf32>
      %dot_general3A_167 = arith.constant dense<0.000000e+00> : vector<1024x1xf32>
      %dot_general3A_168 = tpu.matmul %convert_element_type3A_166, %broadcast_in_dim3A_162, %dot_general3A_167 {dimension_numbers = #tpu.dot_dimension_numbers<[1], [0], [0], [1], [0, 0, 1, 1], [], []>, transpose_lhs_hint = false} : vector<1024x1024xf32>, vector<1024x1xf32>, vector<1024x1xf32> -> vector<1024x1xf32>
      %add3A_169 = vector.broadcast %dot_general3A_168 : vector<1024x1xf32> to vector<1024x128xf32>
      %add3A_170 = arith.addf %dot_general3A_159, %add3A_169 : vector<1024x128xf32>
      %reduce_max3A_171 = vector.shape_cast %add3A_170 : vector<1024x128xf32> to vector<1x1024x128xf32>
      %reduce_max3A_172 = arith.constant dense<0xFF800000> : vector<1xf32>
      %reduce_max3A_173 = vector.multi_reduction <maximumf>, %reduce_max3A_171, %reduce_max3A_172 [1, 2] : vector<1x1024x128xf32> to vector<1xf32>
      %reduce_max3A_174 = vector.shape_cast %reduce_max3A_173 : vector<1xf32> to vector<1x1x1xf32>
      %reduce_max3A_175 = vector.extract %reduce_max3A_174[0, 0, 0] : f32 from vector<1x1x1xf32>
      %iota3A_176 = tpu.iota {dimensions = array<i32: 0>} : vector<1024x128xi32>
      %mul3A_177 = arith.constant 128 : i32
      %mul3A_178 = vector.broadcast %mul3A_177 : i32 to vector<1024x128xi32>
      %mul3A_179 = arith.muli %iota3A_176, %mul3A_178 : vector<1024x128xi32>
      %iota3A_180 = tpu.iota {dimensions = array<i32: 1>} : vector<1024x128xi32>
      %add3A_181 = arith.addi %mul3A_179, %iota3A_180 : vector<1024x128xi32>
      %convert_element_type3A_182 = arith.sitofp %add3A_181 : vector<1024x128xi32> to vector<1024x128xf32>
      %gt3A_183 = arith.constant 5.000000e-01 : f32
      %gt3A_184 = vector.broadcast %gt3A_183 : f32 to vector<1024x128xf32>
      %gt3A_185 = arith.cmpf ogt, %convert_element_type3A_155, %gt3A_184 : vector<1024x128xf32>
      %sub3A_186 = arith.constant 1.000000e+00 : f32
      %sub3A_187 = vector.broadcast %sub3A_186 : f32 to vector<1024x128xf32>
      %sub3A_188 = arith.subf %add3A_170, %sub3A_187 : vector<1024x128xf32>
      %add3A_189 = vector.broadcast %reduce_max3A_175 : f32 to vector<1024x128xf32>
      %add3A_190 = arith.addf %add3A_189, %convert_element_type3A_182 : vector<1024x128xf32>
      %sub3A_191 = arith.subf %add3A_190, %add3A_170 : vector<1024x128xf32>
      %select_n3A_192 = arith.select %gt3A_185, %sub3A_188, %sub3A_191 : vector<1024x128xi1>, vector<1024x128xf32>
      %convert_element_type3A_193 = arith.fptosi %select_n3A_192 : vector<1024x128xf32> to vector<1024x128xi32>
      %swap3A_194 = arith.constant 0 : index
      %swap3A_195 = arith.constant 0 : index
      %swap3A_196 = vector.load %arg6[%swap3A_194, %swap3A_195] : memref<1024x128xi32, #tpu.memory_space<vmem>>, vector<1024x128xi32>
      tpu.vector_store %arg6[%swap3A_194, %swap3A_195], %convert_element_type3A_193 {strides = array<i32>} : memref<1024x128xi32, #tpu.memory_space<vmem>>, vector<1024x128xi32>,
    } else {
    }
    return
  }
  func.func @transform_0(%arg0: i32, %arg1: i32) -> (i32, i32) {
    %c0_i32 = arith.constant 0 : i32
    %c0_i32_0 = arith.constant 0 : i32
    %c0_i32_1 = arith.constant 0 : i32
    return %c0_i32, %c0_i32_0 : i32, i32
  }
  func.func @transform_1(%arg0: i32, %arg1: i32) -> (i32, i32, i32, i32) {
    %c0_i32 = arith.constant 0 : i32
    %c0_i32_0 = arith.constant 0 : i32
    %c0_i32_1 = arith.constant 0 : i32
    return %arg0, %c0_i32, %arg1, %c0_i32_0 : i32, i32, i32, i32
  }
  func.func @transform_2(%arg0: i32, %arg1: i32) -> (i32, i32) {
    %mul3A = arith.constant 8 : i32
    %mul3A_0 = arith.muli %arg0, %mul3A : i32
    %add3A = arith.addi %mul3A_0, %arg1 : i32
    %c0_i32 = arith.constant 0 : i32
    %c0_i32_1 = arith.constant 0 : i32
    return %add3A, %c0_i32 : i32, i32
  }
  func.func @transform_3(%arg0: i32, %arg1: i32) -> (i32, i32) {
    %mul3A = arith.constant 8 : i32
    %mul3A_0 = arith.muli %arg0, %mul3A : i32
    %add3A = arith.addi %mul3A_0, %arg1 : i32
    %c0_i32 = arith.constant 0 : i32
    %c0_i32_1 = arith.constant 0 : i32
    return %add3A, %c0_i32 : i32, i32
  }
  func.func @transform_4(%arg0: i32, %arg1: i32) -> (i32, i32) {
    %c0_i32 = arith.constant 0 : i32
    %c0_i32_0 = arith.constant 0 : i32
    %c0_i32_1 = arith.constant 0 : i32
    return %c0_i32, %c0_i32_0 : i32, i32
  }
}

</mosaic_0001>

<sc_bundles>
// kernel: kernel.4.cloned.1.call-start
scs
__scs_entry_jumppad:
0x0: {  	(pc) =	sbr.rel $0x88, $3  }
0x1: {  	(tag) =	ssettag $0x0;
	lr =	simm.s32 $0x1  }
0x2: {  	[smem:$0x3F9D] =	sst lr;
	_ =	strace $0xD0000000  }
0x3: {  	_ = 	snop  }
0x4: {  	_ = 	snop  }
0x5: {  	_ = 	snop  }
0x6: {  	_ = 	snop  }
0x7: {  	_ = 	snop  }
__scs_overlays_trampoline_lowered:
0x8: {  	[smem:$0x3FAC] =	sst s0  }
0x9: {  	[smem:$0x3FAD] =	sst s1  }
0xa: {  	[smem:$0x3FAE] =	sst s2  }
0xb: {  	[smem:$0x3FAF] =	sst s3  }
0xc: {  	[smem:$0x3FB0] =	sst s4  }
0xd: {  	[smem:$0x3FB1] =	sst s5  }
0xe: {  	[smem:$0x3FB2] =	sst s6  }
0xf: {  	[smem:$0x3FB3] =	sst s7  }
0x10: {  	[smem:$0x3FB4] =	sst s8  }
0x11: {  	[smem:$0x3FB5] =	sst s9;
	s0 =	simm.s32 @!p0 $0x0  }
0x12: {  	s1 =	sld [smem:$0x3F9B];
	s0 =	simm.s32 @p0 $0x1  }
0x13: {  	[smem:$0x3FB6] =	sst s0;
	s0 =	simm.s32 @!p1 $0x0  }
0x14: {  	s2 =	sld [smem:$0x3F9A];
	s0 =	simm.s32 @p1 $0x1  }
0x15: {  	[smem:$0x3FB7] =	sst s0;
	s0 =	simm.s32 @!p2 $0x0  }
0x16: {  	s3 =	sld [smem:$0x3FDB];
	s0 =	simm.s32 @p2 $0x1  }
0x17: {  	s4 =	simm.s32 $0x1BF5;
	[smem:$0x3FB9] =	sst s0  }
0x18: {  	s0 =	sld [smem:$0x3F9C];
	_ =	swait.ge [sflag:s4], $0x0  }
0x19: {  	s7 =	sld [smem:$0x3F9D]  }
0x1a: {  	s8 =	sadd.s32 $0xFFFFE003, lr  }
0x1b: {  	s9 =	sadd.s32 $0xFFFFFEF7, lr;
	s5 =	simm.s32 $0xFFFFFFFF;
	p2 =	slt.u32 s8, $0xFFFFF086  }
0x1c: {  	p1 =	slt.u32 s9, $0xF7A;
	s5 =	simm.s32 @!p2 $0x0  }
0x1d: {  	s5 =	simm.s32 @p1 $0x1;
	p0 =	seq.s32 s7, s2  }
0x1e: {  	s7 =	smul.u32 @!p0 $0xF7A, s2;
	p2 =	seq.s32 @!p0 s5, $0x0  }
0x1f: {  	s9 =	smul.u32 $0xF7A, s1;
	s8 =	simm.s32 @!p0 $0x1BF5;
	p2 =	por !p2, p0  }
0x20: {  	[sflag:s8] =	ssyncset.s32 @!p0 $0xFFFFF086;
	s6 =	sadd.s32 @!p0 s3, s7;
	s7 =	simm.s32 @!p0 $0x108  }
0x21: {  	s3 =	sadd.s32 s3, s9;
	s6 =	sadd.s32 @!p0 $0x88, s6;
	s7 =	simm.s32 @p2 $0x1082  }
0x22: {  	[simem:s7], [sflag:s8] =	dma.local @!p0 [hbm:s6], $0xF7A  }
0x23: {  	s9 =	sor.u32 $0xD0000000, s2;
	s6 =	simm.s32 $0x108;
	_ =	swait.ge @!p0 [sflag:s8], $0x0  }
0x24: {  	s3 =	sadd.s32 $0x88, s3;
	s6 =	simm.s32 @!p1 $0x1082;
	[sflag:s4] =	ssyncset.s32 $0xFFFFF086  }
0x25: {  	[simem:s6], [sflag:s4] =	dma.local [hbm:s3], $0xF7A  }
0x26: {  	[smem:$0x3F9D] =	sst s1;
	(tag) =	ssettag s2;
	_ =	strace s9  }
0x27: {  	s1 =	sld [smem:$0x3FAD]  }
0x28: {  	s2 =	sld [smem:$0x3FAE]  }
0x29: {  	s4 =	sld [smem:$0x3FB0]  }
0x2a: {  	p0 =	seq.s32 s5, $0x0;
	s5 =	sld [smem:$0x3FB1]  }
0x2b: {  	s6 =	sld [smem:$0x3FB2]  }
0x2c: {  	s7 =	sld [smem:$0x3FB3]  }
0x2d: {  	s3 =	simm.s32 $0x108;
	s8 =	sld [smem:$0x3FB4]  }
0x2e: {  	s3 =	simm.s32 @!p0 $0x1082;
	s9 =	sld [smem:$0x3FB5]  }
0x2f: {  	lr =	sadd.s32 s0, s3;
	s0 =	sld [smem:$0x3FAC]  }
0x30: {  	s3 =	sld [smem:$0x3FAF]  }
0x31: {  	[smem:$0x3FB8] =	sst s10  }
0x32: {  	s10 =	sld [smem:$0x3FB6];
	_ =	sdelay $0x3  }
0x33: {  	p0 =	seq.s32 s10, $0x1;
	s10 =	sld [smem:$0x3FB8];
	_ =	sdelay $0x3  }
0x34: {  	[smem:$0x3FB8] =	sst s10  }
0x35: {  	s10 =	sld [smem:$0x3FB7];
	_ =	sdelay $0x3  }
0x36: {  	p1 =	seq.s32 s10, $0x1;
	s10 =	sld [smem:$0x3FB8];
	_ =	sdelay $0x3  }
0x37: {  	[smem:$0x3FB8] =	sst s10  }
0x38: {  	s10 =	sld [smem:$0x3FB9]  }
0x39: {  	_ = 	snop;
	(pc) =	sbr.ind lr, $3  }
0x3a: {  	_ = 	snop  }
0x3b: {  	_ = 	snop  }
0x3c: {  	p2 =	seq.s32 s10, $0x1;
	s10 =	sld [smem:$0x3FB8]  }
0x3d: {  	_ =	shalt  }
0x3e: {  	_ =	shalt  }
0x3f: {  	_ =	shalt  }
0x40: {  	_ =	shalt  }
0x41: {  	_ =	shalt  }
0x42: {  	_ =	shalt  }
0x43: {  	_ =	shalt  }
0x44: {  	_ =	shalt  }
0x45: {  	_ =	shalt  }
0x46: {  	_ =	shalt  }
0x47: {  	_ =	shalt  }
0x48: {  	_ =	shalt  }
0x49: {  	_ =	shalt  }
0x4a: {  	_ =	shalt  }
0x4b: {  	_ =	shalt  }
0x4c: {  	_ =	shalt  }
0x4d: {  	_ =	shalt  }
0x4e: {  	_ =	shalt  }
0x4f: {  	_ =	shalt  }
0x50: {  	_ =	shalt  }
0x51: {  	_ =	shalt  }
0x52: {  	_ =	shalt  }
0x53: {  	_ =	shalt  }
0x54: {  	_ =	shalt  }
0x55: {  	_ =	shalt  }
0x56: {  	_ =	shalt  }
0x57: {  	_ =	shalt  }
0x58: {  	_ =	shalt  }
0x59: {  	_ =	shalt  }
0x5a: {  	_ =	shalt  }
0x5b: {  	_ =	shalt  }
0x5c: {  	_ =	shalt  }
0x5d: {  	_ =	shalt  }
0x5e: {  	_ =	shalt  }
0x5f: {  	_ =	shalt  }
0x60: {  	_ =	shalt  }
0x61: {  	_ =	shalt  }
0x62: {  	_ =	shalt  }
0x63: {  	_ =	shalt  }
0x64: {  	_ =	shalt  }
0x65: {  	_ =	shalt  }
0x66: {  	_ =	shalt  }
0x67: {  	_ =	shalt  }
0x68: {  	_ =	shalt  }
0x69: {  	_ =	shalt  }
0x6a: {  	_ =	shalt  }
0x6b: {  	_ =	shalt  }
0x6c: {  	_ =	shalt  }
0x6d: {  	_ =	shalt  }
0x6e: {  	_ =	shalt  }
0x6f: {  	_ =	shalt  }
0x70: {  	_ =	shalt  }
0x71: {  	_ =	shalt  }
0x72: {  	_ =	shalt  }
0x73: {  	_ =	shalt  }
0x74: {  	_ =	shalt  }
0x75: {  	_ =	shalt  }
0x76: {  	_ =	shalt  }
0x77: {  	_ =	shalt  }
0x78: {  	_ =	shalt  }
0x79: {  	_ =	shalt  }
0x7a: {  	_ =	shalt  }
0x7b: {  	_ =	shalt  }
0x7c: {  	_ =	shalt  }
0x7d: {  	_ =	shalt  }
0x7e: {  	_ =	shalt  }
0x7f: {  	_ =	shalt  }
0x80: {  	_ =	shalt  }
0x81: {  	_ =	shalt  }
0x82: {  	_ =	shalt  }
0x83: {  	_ =	shalt  }
0x84: {  	_ =	shalt  }
0x85: {  	_ =	shalt  }
0x86: {  	_ =	shalt  }
0x87: {  	_ =	shalt  }
.Lfunc_end0:
.L_simem_size_0:
called_computation.1_lowered:
.L_overlay_start_0:
0x88: {  	s2 =	sld [smem:$0x3FD9]  }
0x89: {  	s3 =	sld [smem:$0x3FFE];
	_ =	sdelay $0x1  }
0x8a: {  	s1 =	srdreg.scid  }
0x8b: {  	s0 =	sand.u32 $0x1, s1  }
0x8c: {  	s14 =	sshll.u32 s0, $0xA;
	s2 =	sadd.s32 s3, s2  }
0x8d: {  	s2 =	sadd.s32 s2, s14  }
0x8e: {  	[smem:$0x3FC4] =	sst s2  }
0x8f: {  	_ = 	snop  }
0x90: {  	s2 =	sld [smem:$0x3FD0];
	_ =	sdelay $0x2  }
0x91: {  	s15 =	simm.s32 $0xA;
	s4 =	simm.s32 $0x10  }
0x92: {  	[smem:s4], [sflag:s15] =	dma.local [hbm:s2], $0x1  }
0x93: {  	_ =	swait.eq [sflag:s15], $0x1  }
0x94: {  	[sflag:s15] =	ssyncset.done $0x0  }
0x95: {  	[sflag:s15] =	ssyncadd.s32 $0xFFFFFFFF  }
0x96: {  	s16 =	sld [smem:$0x11];
	(tm) =	ssettm $0x1  }
0x97: {  	s17 =	sld [smem:$0x3FFB];
	_ =	sdelay $0x3  }
0x98: {  	_ =	strace s17  }
0x99: {  	s3 =	sld [smem:$0x3FFC];
	_ =	sdelay $0x3  }
0x9a: {  	_ =	strace s3  }
0x9b: {  	s3 =	sld [smem:$0x3FFD];
	_ =	sdelay $0x3  }
0x9c: {  	_ =	strace s3  }
0x9d: {  	_ =	strace $0x8FFFFFFF  }
0x9e: {  	s18 =	sld [smem:$0x3FDB];
	_ =	sdelay $0x1  }
0x9f: {  	s19 =	simm.s32 $_scs_section_size  }
0xa0: {  	s5 =	simm.s32 $_size__tile_overlayer_lowered;
	s6 =	simm.s32 $_tile_overlayer_lowered  }
0xa1: {  	s22 =	simm.s32 $0x1BFF;
	s21 =	sshll.u32 s6, $0x1;
	s3 =	sadd.s32 s19, s18  }
0xa2: {  	s7 =	simm.s32 $0x0;
	s20 =	sshll.u32 s5, $0x1;
	s5 =	sadd.s32 s21, s3  }
0xa3: {  	[timem:s7], [sflag:s22] =	dma.local [hbm:s5], s20  }
0xa4: {  	_ =	swait.ge [sflag:s22], s20  }
0xa5: {  	s4 =	ssub.s32 $0x0, s20;
	[sflag:s22] =	ssyncset.done $0x0  }
0xa6: {  	[sflag:s22] =	ssyncadd.s32 s4;
	_ =	sdelay $0x1  }
0xa7: {  	s23 =	simm.s32 $0x1B8B  }
0xa8: {  	_ =	swait.ge [sflag:s23], $0x1  }
0xa9: {  	[sflag:s23] =	ssyncset.done $0x0  }
0xaa: {  	s25 =	simm.s32 $0x1B8E;
	s24 =	sld [smem:$0x3FFE];
	[sflag:s23] =	ssyncadd.s32 $0xFFFFFFFF  }
0xab: {  	s26 =	simm.s32 $execute0_lowered;
	[smem:$0x3FD2] =	sst s25  }
0xac: {  	s5 =	sshll.u32 s26, $0x1;
	_ =	strace $0x80000046;
	[dreg:$0x1] =	wrdreg $0xFFFFFFFF  }
0xad: {  	s28 =	simm.s32 $_size_execute0_lowered;
	s3 =	sadd.s32 s3, s5;
	[dreg:$0x0] =	wrdreg $0x0  }
0xae: {  	s5 =	sshll.u32 s28, $0x1;
	[dreg:$0x2] =	wrdreg s3  }
0xaf: {  	[dreg:$0x3] =	wrdreg s5  }
0xb0: {  	[dreg:$0x4] =	wrdreg $0xC0  }
0xb1: {  	_ =	task [dreg:s7], $0x5FFFF  }
0xb2: {  	[dreg:$0x1] =	wrdreg $0xFFFFFFFF  }
0xb3: {  	[dreg:$0x0] =	wrdreg $0x60  }
0xb4: {  	[dreg:$0x2] =	wrdreg s24  }
0xb5: {  	[dreg:$0x3] =	wrdreg s16  }
0xb6: {  	[dreg:$0x4] =	wrdreg $0x9  }
0xb7: {  	_ =	task.clear_ibuf [dreg:s7], $0x5FFFF;
	_ =	strace $0x90000046  }
0xb8: {  	s29 =	simm.s32 $0x9;
	_ =	strace $0x80000048  }
0xb9: {  	_ =	swait.ge [sflag:s29], $0x1  }
0xba: {  	[sflag:s29] =	ssyncadd.s32 $0xFFFFFFFF  }
0xbb: {  	_ =	strace $0x90000048  }
0xbc: {  	_ =	sfence  }
0xbd: {  	s30 =	sld [smem:$0x0];
	_ =	sdelay $0x2  }
0xbe: {  	s31 =	sshll.u32 s1, $0xD;
	s1 =	sshrl.u32 s1, $0x2  }
0xbf: {  	s3 =	sand.u32 $0x4000, s31;
	s1 =	sadd.s32 s1, s30  }
0xc0: {  	s0 =	sor.u32 s3, s0;
	s1 =	sshll.u32 s1, $0x11  }
0xc1: {  	s0 =	sor.u32 s1, s0  }
0xc2: {  	s0 =	sadd.s32 $0x8F2B, s0  }
0xc3: {  	[sflag:s0] =	ssyncadd.remote.s32 $0x1  }
0xc4: {  	_ =	sfence.sel $0xFFFF  }
0xc5: {  	[dreg:$0x0] =	wrdreg $0xFFFFFFFF;
	(pc) =	sbr.abs _section_cstart, $3  }
0xc6: {  	[dreg:$0x1] =	wrdreg $0xFFFFFFFF  }
0xc7: {  	_ =	task.clear_ibuf [dreg:s7], $0x2FFFF;
	_ =	strace $0x9FFFFFFF  }
0xc8: {  	(tm) =	ssettm $0x7FFFFFFF  }
0xc9: {  	_ =	shalt  }
tec
execute0_lowered:
.L_overlay_start_1:
0x0: {  	(tag) =	ssettag $0x1  }
0x1: {  	s0 =	rddreg [dreg:$0x0]  }
0x2: {  	s1 =	rddreg [dreg:$0x1];
	s2 =	simm.s32 $0x0  }
0x3: {  	s3 =	srdreg.scid;
	s10 =	stileid.u32;
	s11 =	simm.s32 $0x3  }
0x4: {  	s28 =	simm.s32 $0x4000;
	s29 =	simm.s32 $0x8000;
	s12 =	simm.s32 $0x9000  }
0x5: {  	s13 =	simm.s32 $0x9800;
	s14 =	simm.s32 $0xA000;
	s15 =	simm.s32 $0xA800  }
0x6: {  	s30 =	simm.s32 $0xB000;
	s31 =	simm.s32 $0xB800;
	s16 =	simm.s32 $0x1  }
0x7: {  	s17 =	simm.s32 $0x2;
	[smem:$0x7FF] =	sst s2;
	s4 =	sand.u32 $0x1, s3  }
0x8: {  	s18 =	sshll.u32 s10, $0xD;
	s6 =	sadd.s32 $0x800, s0;
	s3 =	sadd.s32 $0x400800, s0  }
0x9: {  	s24 =	sshll.u32 s10, $0x12;
	s10 =	simm.s32 $0x8800;
	_ =	strace $0x80000047  }
0xa: {  	s5 =	sshll.u32 s4, $0xC;
	s7 =	ssub.s32 $0x2, s4;
	s4 =	sshll.u32 s4, $0x11  }
0xb: {  	s5 =	sor.u32 s5, s18;
	s19 =	sshrl.u32 s7, $0x1;
	s18 =	simm.s32 $0x0  }
0xc: {  	s8 =	sshrl.u32 s5, $0x3;
	s0 =	ssub.s32 s7, s19;
	s21 =	sor.u32 $0x80, s5  }
0xd: {  	s22 =	sshll.u32 s5, $0x5;
	s25 =	sor.u32 $0x180, s5;
	s5 =	sor.u32 $0x100, s5  }
0xe: {  	s19 =	simm.s32 $0x10000;
	[dreg:$0xb] =	wrdreg s18;
	s20 =	sadd.s32 s1, s8  }
0xf: {  	s9 =	sshrl.u32 s21, $0x3;
	s7 =	sshll.u32 s21, $0x5;
	s8 =	sadd.s32 s6, s22  }
0x10: {  	s0 =	smax.u32 s0, $0x1;
	s26 =	sshrl.u32 s25, $0x3;
	s5 =	sshrl.u32 s5, $0x3  }
0x11: {  	s21 =	simm.s32 $0x1000;
	s22 =	simm.s32 $0x1800;
	[dreg:$0x5] =	wrdreg s20  }
0x12: {  	s25 =	simm.s32 $0x3000;
	[dreg:$0x6] =	wrdreg s8;
	s23 =	sadd.s32 s1, s9  }
0x13: {  	s7 =	sadd.s32 s6, s7;
	[dreg:$0x9] =	wrdreg s0;
	s0 =	sadd.s32 s24, s6  }
0x14: {  	s6 =	sadd.s32 s26, s1;
	s1 =	sadd.s32 s5, s1;
	s20 =	simm.s32 $0x800  }
0x15: {  	s24 =	simm.s32 $0x2800;
	s26 =	simm.s32 $0x3800;
	[dreg:$0x7] =	wrdreg s23  }
0x16: {  	s5 =	simm.s32 $0x6000;
	s8 =	simm.s32 $0x7800;
	[dreg:$0x8] =	wrdreg s7  }
0x17: {  	s9 =	simm.s32 $0x10080;
	s0 =	sadd.s32 s4, s0;
	[dreg:$0x3] =	wrdreg s6  }
0x18: {  	v2 =	vlaneseq.u32;
	[dreg:$0x4] =	wrdreg s1;
	s23 =	simm.s32 $0x2000;
	s1 =	simm.s32 $0x5000  }
0x19: {  	vm0 =	vmmov $0xffff;
	v1 =	vshrl.u32 v2, $0x3;
	s4 =	simm.s32 $0x5800;
	s6 =	simm.s32 $0x6800;
	s0 =	sadd.s32 $0x3000, s0  }
0x1a: {  	v0 =	vand.u32 $0x7, v2;
	v2 =	vor.u32 $0x8, v2;
	v1 =	vmul.u32 $0x8, v1;
	s7 =	simm.s32 $0x7000;
	[dreg:$0xa] =	wrdreg s0;
	s0 =	simm.s32 $0x4800  }
.LBB2_1:
0x1b: {  	s18 =	rddreg [dreg:$0x5]  }
0x1c: {  	[tilespmem:s19], [sflag:$0x3] =	stream.linear.gather [hbm4b:s18+s2], $0x80, $0x38;
	[tilespmem:$0x10100] =	vst v63  }
0x1d: {  	_ =	swait.ge [sflag:s11], $0x80  }
0x1e: {  	[sflag:s11] =	ssyncset.done $0x0  }
0x1f: {  	s19 =	rddreg [dreg:$0x6];
	[sflag:s11] =	ssyncadd.s32 $0xFFFFFF80  }
0x20: {  	[tilespmem:s2], [sflag:$0x3] =	stream.linear.gather [hbm4b:s19+s2], $0x8000, $0x38;
	[tilespmem:$0x10100] =	vst v63  }
0x21: {  	_ =	swait.ge [sflag:s11], $0x8000  }
0x22: {  	[sflag:s11] =	ssyncset.done $0x0  }
0x23: {  	[sflag:s11] =	ssyncadd.s32 $0xFFFF8000  }
0x24: {  	v3 =	vld [tilespmem:$0x10000];
	_ =	sdelay $0x4  }
0x25: {  	v4 =	vshll.u32 v3, $0x1  }
0x26: {  	v3 =	vand.u32 $0x7, v3;
	v4 =	vand.u32 $0xFFFFFFF0, v4  }
0x27: {  	v3 =	vor.u32 v3, v4  }
0x28: {  	v4 =	vperm.xlane v3, v0;
	_ =	sdelay $0x1  }
0x29: {  	v3 =	vperm.xlane v3, v2;
	v4 =	vadd.s32 v1, v4;
	_ =	sdelay $0x1  }
0x2a: {  	v3 =	vadd.s32 v1, v3;
	_ =	sdelay $0x2  }
0x2b: {  	[hbm4b:s3+s2] =	stream.indirect_vreg.scatter [tilespmem:s2], [sflag:$0x1], $0x80, v4, vm0, $0xb8;
	[tilespmem:$0x10100] =	vst v63  }
0x2c: {  	_ = 	snop  }
0x2d: {  	[hbm4b:s3+s2] =	stream.indirect_vreg.scatter [tilespmem:s20], [sflag:$0x1], $0x80, v3, vm0, $0xb8;
	[tilespmem:$0x10100] =	vst v63  }
0x2e: {  	v3 =	vld [tilespmem:$0x10010];
	_ =	sdelay $0x4  }
0x2f: {  	v49 =	vshll.u32 v3, $0x1  }
0x30: {  	v3 =	vand.u32 $0x7, v3;
	v4 =	vand.u32 $0xFFFFFFF0, v49  }
0x31: {  	v3 =	vor.u32 v3, v4  }
0x32: {  	v4 =	vperm.xlane v3, v0;
	_ =	sdelay $0x1  }
0x33: {  	v3 =	vperm.xlane v3, v2;
	v4 =	vadd.s32 v1, v4;
	_ =	sdelay $0x1  }
0x34: {  	v3 =	vadd.s32 v1, v3;
	_ =	sdelay $0x2  }
0x35: {  	[hbm4b:s3+s2] =	stream.indirect_vreg.scatter [tilespmem:s21], [sflag:$0x1], $0x80, v4, vm0, $0xb8;
	[tilespmem:$0x10100] =	vst v63  }
0x36: {  	_ = 	snop  }
0x37: {  	[hbm4b:s3+s2] =	stream.indirect_vreg.scatter [tilespmem:s22], [sflag:$0x1], $0x80, v3, vm0, $0xb8;
	[tilespmem:$0x10100] =	vst v63  }
0x38: {  	v3 =	vld [tilespmem:$0x10020];
	_ =	sdelay $0x4  }
0x39: {  	v50 =	vshll.u32 v3, $0x1  }
0x3a: {  	v3 =	vand.u32 $0x7, v3;
	v4 =	vand.u32 $0xFFFFFFF0, v50  }
0x3b: {  	v3 =	vor.u32 v3, v4  }
0x3c: {  	v4 =	vperm.xlane v3, v0;
	_ =	sdelay $0x1  }
0x3d: {  	v3 =	vperm.xlane v3, v2;
	v4 =	vadd.s32 v1, v4;
	_ =	sdelay $0x1  }
0x3e: {  	v3 =	vadd.s32 v1, v3;
	_ =	sdelay $0x2  }
0x3f: {  	[hbm4b:s3+s2] =	stream.indirect_vreg.scatter [tilespmem:s23], [sflag:$0x1], $0x80, v4, vm0, $0xb8;
	[tilespmem:$0x10100] =	vst v63  }
0x40: {  	_ = 	snop  }
0x41: {  	[hbm4b:s3+s2] =	stream.indirect_vreg.scatter [tilespmem:s24], [sflag:$0x1], $0x80, v3, vm0, $0xb8;
	[tilespmem:$0x10100] =	vst v63  }
0x42: {  	v3 =	vld [tilespmem:$0x10030];
	_ =	sdelay $0x4  }
0x43: {  	v51 =	vshll.u32 v3, $0x1  }
0x44: {  	v3 =	vand.u32 $0x7, v3;
	v4 =	vand.u32 $0xFFFFFFF0, v51  }
0x45: {  	v3 =	vor.u32 v3, v4  }
0x46: {  	v4 =	vperm.xlane v3, v0;
	_ =	sdelay $0x1  }
0x47: {  	v3 =	vperm.xlane v3, v2;
	v4 =	vadd.s32 v1, v4;
	_ =	sdelay $0x1  }
0x48: {  	v3 =	vadd.s32 v1, v3;
	_ =	sdelay $0x2  }
0x49: {  	[hbm4b:s3+s2] =	stream.indirect_vreg.scatter [tilespmem:s25], [sflag:$0x1], $0x80, v4, vm0, $0xb8;
	[tilespmem:$0x10100] =	vst v63  }
0x4a: {  	_ = 	snop  }
0x4b: {  	[hbm4b:s3+s2] =	stream.indirect_vreg.scatter [tilespmem:s26], [sflag:$0x1], $0x80, v3, vm0, $0xb8;
	[tilespmem:$0x10100] =	vst v63  }
0x4c: {  	v3 =	vld [tilespmem:$0x10040];
	_ =	sdelay $0x4  }
0x4d: {  	v52 =	vshll.u32 v3, $0x1  }
0x4e: {  	v3 =	vand.u32 $0x7, v3;
	v4 =	vand.u32 $0xFFFFFFF0, v52  }
0x4f: {  	v3 =	vor.u32 v3, v4  }
0x50: {  	v4 =	vperm.xlane v3, v0;
	_ =	sdelay $0x1  }
0x51: {  	v3 =	vperm.xlane v3, v2;
	v4 =	vadd.s32 v1, v4;
	_ =	sdelay $0x1  }
0x52: {  	v3 =	vadd.s32 v1, v3;
	_ =	sdelay $0x2  }
0x53: {  	[hbm4b:s3+s2] =	stream.indirect_vreg.scatter [tilespmem:s28], [sflag:$0x1], $0x80, v4, vm0, $0xb8;
	[tilespmem:$0x10100] =	vst v63  }
0x54: {  	_ = 	snop  }
0x55: {  	[hbm4b:s3+s2] =	stream.indirect_vreg.scatter [tilespmem:s0], [sflag:$0x1], $0x80, v3, vm0, $0xb8;
	[tilespmem:$0x10100] =	vst v63  }
0x56: {  	v3 =	vld [tilespmem:$0x10050];
	_ =	sdelay $0x4  }
0x57: {  	v53 =	vshll.u32 v3, $0x1  }
0x58: {  	v3 =	vand.u32 $0x7, v3;
	v4 =	vand.u32 $0xFFFFFFF0, v53  }
0x59: {  	v3 =	vor.u32 v3, v4  }
0x5a: {  	v4 =	vperm.xlane v3, v0;
	_ =	sdelay $0x1  }
0x5b: {  	v3 =	vperm.xlane v3, v2;
	v4 =	vadd.s32 v1, v4;
	_ =	sdelay $0x1  }
0x5c: {  	v3 =	vadd.s32 v1, v3;
	_ =	sdelay $0x2  }
0x5d: {  	[hbm4b:s3+s2] =	stream.indirect_vreg.scatter [tilespmem:s1], [sflag:$0x1], $0x80, v4, vm0, $0xb8;
	[tilespmem:$0x10100] =	vst v63  }
0x5e: {  	_ = 	snop  }
0x5f: {  	[hbm4b:s3+s2] =	stream.indirect_vreg.scatter [tilespmem:s4], [sflag:$0x1], $0x80, v3, vm0, $0xb8;
	[tilespmem:$0x10100] =	vst v63  }
0x60: {  	v3 =	vld [tilespmem:$0x10060];
	_ =	sdelay $0x4  }
0x61: {  	v54 =	vshll.u32 v3, $0x1  }
0x62: {  	v3 =	vand.u32 $0x7, v3;
	v4 =	vand.u32 $0xFFFFFFF0, v54  }
0x63: {  	v3 =	vor.u32 v3, v4  }
0x64: {  	v4 =	vperm.xlane v3, v0;
	_ =	sdelay $0x1  }
0x65: {  	v3 =	vperm.xlane v3, v2;
	v4 =	vadd.s32 v1, v4;
	_ =	sdelay $0x1  }
0x66: {  	v3 =	vadd.s32 v1, v3;
	_ =	sdelay $0x2  }
0x67: {  	[hbm4b:s3+s2] =	stream.indirect_vreg.scatter [tilespmem:s5], [sflag:$0x1], $0x80, v4, vm0, $0xb8;
	[tilespmem:$0x10100] =	vst v63  }
0x68: {  	_ = 	snop  }
0x69: {  	[hbm4b:s3+s2] =	stream.indirect_vreg.scatter [tilespmem:s6], [sflag:$0x1], $0x80, v3, vm0, $0xb8;
	[tilespmem:$0x10100] =	vst v63  }
0x6a: {  	v3 =	vld [tilespmem:$0x10070];
	_ =	sdelay $0x4  }
0x6b: {  	v55 =	vshll.u32 v3, $0x1  }
0x6c: {  	v3 =	vand.u32 $0x7, v3;
	v4 =	vand.u32 $0xFFFFFFF0, v55  }
0x6d: {  	v3 =	vor.u32 v3, v4  }
0x6e: {  	v4 =	vperm.xlane v3, v0;
	_ =	sdelay $0x1  }
0x6f: {  	v3 =	vperm.xlane v3, v2;
	v4 =	vadd.s32 v1, v4;
	_ =	sdelay $0x1  }
0x70: {  	v3 =	vadd.s32 v1, v3;
	_ =	sdelay $0x2  }
0x71: {  	[hbm4b:s3+s2] =	stream.indirect_vreg.scatter [tilespmem:s7], [sflag:$0x1], $0x80, v4, vm0, $0xb8;
	[tilespmem:$0x10100] =	vst v63  }
0x72: {  	_ = 	snop  }
0x73: {  	[hbm4b:s3+s2] =	stream.indirect_vreg.scatter [tilespmem:s8], [sflag:$0x1], $0x80, v3, vm0, $0xb8;
	[tilespmem:$0x10100] =	vst v63  }
0x74: {  	s19 =	rddreg [dreg:$0x7]  }
0x75: {  	[tilespmem:s9], [sflag:$0x3] =	stream.linear.gather [hbm4b:s19+s2], $0x80, $0x38;
	[tilespmem:$0x10100] =	vst v63  }
0x76: {  	_ =	swait.ge [sflag:s11], $0x80  }
0x77: {  	[sflag:s11] =	ssyncset.done $0x0  }
0x78: {  	s20 =	rddreg [dreg:$0x8];
	[sflag:s11] =	ssyncadd.s32 $0xFFFFFF80  }
0x79: {  	[tilespmem:s29], [sflag:$0x3] =	stream.linear.gather [hbm4b:s20+s2], $0x8000, $0x38;
	[tilespmem:$0x10100] =	vst v63  }
0x7a: {  	_ =	swait.ge [sflag:s11], $0x8000  }
0x7b: {  	[sflag:s11] =	ssyncset.done $0x0  }
0x7c: {  	[sflag:s11] =	ssyncadd.s32 $0xFFFF8000  }
0x7d: {  	v3 =	vld [tilespmem:$0x10080];
	_ =	sdelay $0x4  }
0x7e: {  	v56 =	vshll.u32 v3, $0x1  }
0x7f: {  	v3 =	vand.u32 $0x7, v3;
	v4 =	vand.u32 $0xFFFFFFF0, v56  }
0x80: {  	v3 =	vor.u32 v3, v4  }
0x81: {  	v4 =	vperm.xlane v3, v0;
	_ =	sdelay $0x1  }
0x82: {  	v3 =	vperm.xlane v3, v2;
	v4 =	vadd.s32 v1, v4;
	_ =	sdelay $0x1  }
0x83: {  	v3 =	vadd.s32 v1, v3;
	_ =	sdelay $0x2  }
0x84: {  	[hbm4b:s3+s2] =	stream.indirect_vreg.scatter [tilespmem:s29], [sflag:$0x2], $0x80, v4, vm0, $0xb8;
	[tilespmem:$0x10100] =	vst v63  }
0x85: {  	_ = 	snop  }
0x86: {  	[hbm4b:s3+s2] =	stream.indirect_vreg.scatter [tilespmem:s10], [sflag:$0x2], $0x80, v3, vm0, $0xb8;
	[tilespmem:$0x10100] =	vst v63  }
0x87: {  	v3 =	vld [tilespmem:$0x10090];
	_ =	sdelay $0x4  }
0x88: {  	v57 =	vshll.u32 v3, $0x1  }
0x89: {  	v3 =	vand.u32 $0x7, v3;
	v4 =	vand.u32 $0xFFFFFFF0, v57  }
0x8a: {  	v3 =	vor.u32 v3, v4  }
0x8b: {  	v4 =	vperm.xlane v3, v0;
	_ =	sdelay $0x1  }
0x8c: {  	v3 =	vperm.xlane v3, v2;
	v4 =	vadd.s32 v1, v4;
	_ =	sdelay $0x1  }
0x8d: {  	v3 =	vadd.s32 v1, v3;
	_ =	sdelay $0x2  }
0x8e: {  	[hbm4b:s3+s2] =	stream.indirect_vreg.scatter [tilespmem:s12], [sflag:$0x2], $0x80, v4, vm0, $0xb8;
	[tilespmem:$0x10100] =	vst v63  }
0x8f: {  	_ = 	snop  }
0x90: {  	[hbm4b:s3+s2] =	stream.indirect_vreg.scatter [tilespmem:s13], [sflag:$0x2], $0x80, v3, vm0, $0xb8;
	[tilespmem:$0x10100] =	vst v63  }
0x91: {  	v3 =	vld [tilespmem:$0x100A0];
	_ =	sdelay $0x4  }
0x92: {  	v58 =	vshll.u32 v3, $0x1  }
0x93: {  	v3 =	vand.u32 $0x7, v3;
	v4 =	vand.u32 $0xFFFFFFF0, v58  }
0x94: {  	v3 =	vor.u32 v3, v4  }
0x95: {  	v4 =	vperm.xlane v3, v0;
	_ =	sdelay $0x1  }
0x96: {  	v3 =	vperm.xlane v3, v2;
	v4 =	vadd.s32 v1, v4;
	_ =	sdelay $0x1  }
0x97: {  	v3 =	vadd.s32 v1, v3;
	_ =	sdelay $0x2  }
0x98: {  	[hbm4b:s3+s2] =	stream.indirect_vreg.scatter [tilespmem:s14], [sflag:$0x2], $0x80, v4, vm0, $0xb8;
	[tilespmem:$0x10100] =	vst v63  }
0x99: {  	_ = 	snop  }
0x9a: {  	[hbm4b:s3+s2] =	stream.indirect_vreg.scatter [tilespmem:s15], [sflag:$0x2], $0x80, v3, vm0, $0xb8;
	[tilespmem:$0x10100] =	vst v63  }
0x9b: {  	v3 =	vld [tilespmem:$0x100B0];
	_ =	sdelay $0x4  }
0x9c: {  	v59 =	vshll.u32 v3, $0x1  }
0x9d: {  	v3 =	vand.u32 $0x7, v3;
	v4 =	vand.u32 $0xFFFFFFF0, v59  }
0x9e: {  	v3 =	vor.u32 v3, v4  }
0x9f: {  	v4 =	vperm.xlane v3, v0;
	_ =	sdelay $0x1  }
0xa0: {  	v3 =	vperm.xlane v3, v2;
	v4 =	vadd.s32 v1, v4;
	_ =	sdelay $0x1  }
0xa1: {  	v3 =	vadd.s32 v1, v3;
	_ =	sdelay $0x2  }
0xa2: {  	[hbm4b:s3+s2] =	stream.indirect_vreg.scatter [tilespmem:s30], [sflag:$0x2], $0x80, v4, vm0, $0xb8;
	[tilespmem:$0x10100] =	vst v63  }
0xa3: {  	_ = 	snop  }
0xa4: {  	[hbm4b:s3+s2] =	stream.indirect_vreg.scatter [tilespmem:s31], [sflag:$0x2], $0x80, v3, vm0, $0xb8;
	[tilespmem:$0x10100] =	vst v63  }
0xa5: {  	v3 =	vld [tilespmem:$0x100C0];
	_ =	sdelay $0x4  }
0xa6: {  	v60 =	vshll.u32 v3, $0x1  }
0xa7: {  	v3 =	vand.u32 $0x7, v3;
	v4 =	vand.u32 $0xFFFFFFF0, v60  }
0xa8: {  	v3 =	vor.u32 v3, v4  }
0xa9: {  	v4 =	vperm.xlane v3, v0;
	_ =	sdelay $0x1  }
0xaa: {  	v3 =	vperm.xlane v3, v2;
	v4 =	vadd.s32 v1, v4;
	_ =	sdelay $0x1  }
0xab: {  	v3 =	vadd.s32 v1, v3;
	_ =	sdelay $0x1  }
0xac: {  	s21 =	simm.s32 $0xC000  }
0xad: {  	[hbm4b:s3+s2] =	stream.indirect_vreg.scatter [tilespmem:s21], [sflag:$0x2], $0x80, v4, vm0, $0xb8;
	[tilespmem:$0x10100] =	vst v63  }
0xae: {  	s22 =	simm.s32 $0xC800  }
0xaf: {  	[hbm4b:s3+s2] =	stream.indirect_vreg.scatter [tilespmem:s22], [sflag:$0x2], $0x80, v3, vm0, $0xb8;
	[tilespmem:$0x10100] =	vst v63  }
0xb0: {  	v3 =	vld [tilespmem:$0x100D0];
	_ =	sdelay $0x4  }
0xb1: {  	v61 =	vshll.u32 v3, $0x1  }
0xb2: {  	v3 =	vand.u32 $0x7, v3;
	v4 =	vand.u32 $0xFFFFFFF0, v61  }
0xb3: {  	v3 =	vor.u32 v3, v4  }
0xb4: {  	v4 =	vperm.xlane v3, v0;
	_ =	sdelay $0x1  }
0xb5: {  	v3 =	vperm.xlane v3, v2;
	v4 =	vadd.s32 v1, v4;
	_ =	sdelay $0x1  }
0xb6: {  	v3 =	vadd.s32 v1, v3;
	_ =	sdelay $0x1  }
0xb7: {  	s23 =	simm.s32 $0xD000  }
0xb8: {  	[hbm4b:s3+s2] =	stream.indirect_vreg.scatter [tilespmem:s23], [sflag:$0x2], $0x80, v4, vm0, $0xb8;
	[tilespmem:$0x10100] =	vst v63  }
0xb9: {  	s24 =	simm.s32 $0xD800  }
0xba: {  	[hbm4b:s3+s2] =	stream.indirect_vreg.scatter [tilespmem:s24], [sflag:$0x2], $0x80, v3, vm0, $0xb8;
	[tilespmem:$0x10100] =	vst v63  }
0xbb: {  	v3 =	vld [tilespmem:$0x100E0];
	_ =	sdelay $0x4  }
0xbc: {  	v62 =	vshll.u32 v3, $0x1  }
0xbd: {  	v3 =	vand.u32 $0x7, v3;
	v4 =	vand.u32 $0xFFFFFFF0, v62  }
0xbe: {  	v3 =	vor.u32 v3, v4  }
0xbf: {  	v4 =	vperm.xlane v3, v0;
	_ =	sdelay $0x1  }
0xc0: {  	v3 =	vperm.xlane v3, v2;
	v4 =	vadd.s32 v1, v4;
	_ =	sdelay $0x1  }
0xc1: {  	v3 =	vadd.s32 v1, v3;
	_ =	sdelay $0x1  }
0xc2: {  	s25 =	simm.s32 $0xE000  }
0xc3: {  	[hbm4b:s3+s2] =	stream.indirect_vreg.scatter [tilespmem:s25], [sflag:$0x2], $0x80, v4, vm0, $0xb8;
	[tilespmem:$0x10100] =	vst v63  }
0xc4: {  	s26 =	simm.s32 $0xE800  }
0xc5: {  	[hbm4b:s3+s2] =	stream.indirect_vreg.scatter [tilespmem:s26], [sflag:$0x2], $0x80, v3, vm0, $0xb8;
	[tilespmem:$0x10100] =	vst v63  }
0xc6: {  	v3 =	vld [tilespmem:$0x100F0];
	_ =	sdelay $0x4  }
0xc7: {  	v63 =	vshll.u32 v3, $0x1  }
0xc8: {  	v3 =	vand.u32 $0x7, v3;
	v4 =	vand.u32 $0xFFFFFFF0, v63  }
0xc9: {  	v3 =	vor.u32 v3, v4  }
0xca: {  	s28 =	simm.s32 $0xF000;
	s0 =	simm.s32 $0x4800;
	v4 =	vperm.xlane v3, v0  }
0xcb: {  	s1 =	simm.s32 $0x5000;
	s4 =	simm.s32 $0x5800;
	s5 =	simm.s32 $0x6000  }
0xcc: {  	s6 =	simm.s32 $0x6800;
	s7 =	simm.s32 $0x7000;
	s8 =	simm.s32 $0x7800;
	v3 =	vperm.xlane v3, v2;
	v4 =	vadd.s32 v1, v4  }
0xcd: {  	s19 =	simm.s32 $0x0;
	s9 =	simm.s32 $0x10080;
	s18 =	rddreg [dreg:$0xa]  }
0xce: {  	s10 =	simm.s32 $0x8800;
	s12 =	simm.s32 $0x9000;
	s13 =	simm.s32 $0x9800;
	v3 =	vadd.s32 v1, v3  }
0xcf: {  	s14 =	simm.s32 $0xA000;
	s15 =	simm.s32 $0xA800;
	s30 =	simm.s32 $0x3800  }
0xd0: {  	s31 =	simm.s32 $0x4000;
	s21 =	simm.s32 $0xF800;
	s22 =	simm.s32 $0x800  }
0xd1: {  	[hbm4b:s3+s2] =	stream.indirect_vreg.scatter [tilespmem:s28], [sflag:$0x2], $0x80, v4, vm0, $0xb8;
	[tilespmem:$0x10100] =	vst v63  }
0xd2: {  	s23 =	simm.s32 $0xB000;
	s24 =	simm.s32 $0x1800;
	s26 =	simm.s32 $0x2800  }
0xd3: {  	[hbm4b:s3+s2] =	stream.indirect_vreg.scatter [tilespmem:s21], [sflag:$0x2], $0x80, v3, vm0, $0xb8;
	[tilespmem:$0x10100] =	vst v63  }
.LBB2_2:
0xd4: {  	_ =	swait.ge [sflag:s16], $0x8000  }
0xd5: {  	s20 =	rddreg [dreg:$0x4];
	[sflag:s16] =	ssyncset.done $0x0  }
0xd6: {  	s25 =	simm.s32 $0x10000;
	[sflag:s16] =	ssyncadd.s32 $0xFFFF8000;
	s20 =	sadd.s32 s19, s20  }
0xd7: {  	[tilespmem:s25], [sflag:$0x3] =	stream.linear.gather [hbm4b:s20+s2], $0x80, $0x38;
	[tilespmem:$0x10100] =	vst v63  }
0xd8: {  	_ =	swait.ge [sflag:s11], $0x80  }
0xd9: {  	[sflag:s11] =	ssyncset.done $0x0  }
0xda: {  	s25 =	sadd.s32 $0xFFFFF000, s18;
	[sflag:s11] =	ssyncadd.s32 $0xFFFFFF80  }
0xdb: {  	[tilespmem:s2], [sflag:$0x3] =	stream.linear.gather [hbm4b:s25+s2], $0x8000, $0x38;
	[tilespmem:$0x10100] =	vst v63  }
0xdc: {  	_ =	swait.ge [sflag:s11], $0x8000  }
0xdd: {  	[sflag:s11] =	ssyncset.done $0x0  }
0xde: {  	[sflag:s11] =	ssyncadd.s32 $0xFFFF8000  }
0xdf: {  	v3 =	vld [tilespmem:$0x10000];
	_ =	sdelay $0x4  }
0xe0: {  	v4 =	vshll.u32 v3, $0x1  }
0xe1: {  	v3 =	vand.u32 $0x7, v3;
	v4 =	vand.u32 $0xFFFFFFF0, v4  }
0xe2: {  	v3 =	vor.u32 v3, v4  }
0xe3: {  	v4 =	vperm.xlane v3, v0;
	_ =	sdelay $0x1  }
0xe4: {  	v3 =	vperm.xlane v3, v2;
	v4 =	vadd.s32 v1, v4;
	_ =	sdelay $0x1  }
0xe5: {  	v3 =	vadd.s32 v1, v3;
	_ =	sdelay $0x2  }
0xe6: {  	[hbm4b:s3+s2] =	stream.indirect_vreg.scatter [tilespmem:s2], [sflag:$0x1], $0x80, v4, vm0, $0xb8;
	[tilespmem:$0x10100] =	vst v63  }
0xe7: {  	_ = 	snop  }
0xe8: {  	[hbm4b:s3+s2] =	stream.indirect_vreg.scatter [tilespmem:s22], [sflag:$0x1], $0x80, v3, vm0, $0xb8;
	[tilespmem:$0x10100] =	vst v63  }
0xe9: {  	v3 =	vld [tilespmem:$0x10010];
	_ =	sdelay $0x4  }
0xea: {  	v49 =	vshll.u32 v3, $0x1  }
0xeb: {  	v3 =	vand.u32 $0x7, v3;
	v4 =	vand.u32 $0xFFFFFFF0, v49  }
0xec: {  	v3 =	vor.u32 v3, v4  }
0xed: {  	v4 =	vperm.xlane v3, v0;
	_ =	sdelay $0x1  }
0xee: {  	v3 =	vperm.xlane v3, v2;
	v4 =	vadd.s32 v1, v4;
	_ =	sdelay $0x1  }
0xef: {  	v3 =	vadd.s32 v1, v3;
	_ =	sdelay $0x1  }
0xf0: {  	s25 =	simm.s32 $0x1000  }
0xf1: {  	[hbm4b:s3+s2] =	stream.indirect_vreg.scatter [tilespmem:s25], [sflag:$0x1], $0x80, v4, vm0, $0xb8;
	[tilespmem:$0x10100] =	vst v63  }
0xf2: {  	_ = 	snop  }
0xf3: {  	[hbm4b:s3+s2] =	stream.indirect_vreg.scatter [tilespmem:s24], [sflag:$0x1], $0x80, v3, vm0, $0xb8;
	[tilespmem:$0x10100] =	vst v63  }
0xf4: {  	v3 =	vld [tilespmem:$0x10020];
	_ =	sdelay $0x4  }
0xf5: {  	v50 =	vshll.u32 v3, $0x1  }
0xf6: {  	v3 =	vand.u32 $0x7, v3;
	v4 =	vand.u32 $0xFFFFFFF0, v50  }
0xf7: {  	v3 =	vor.u32 v3, v4  }
0xf8: {  	v4 =	vperm.xlane v3, v0;
	_ =	sdelay $0x1  }
0xf9: {  	v3 =	vperm.xlane v3, v2;
	v4 =	vadd.s32 v1, v4;
	_ =	sdelay $0x1  }
0xfa: {  	v3 =	vadd.s32 v1, v3;
	_ =	sdelay $0x1  }
0xfb: {  	s25 =	simm.s32 $0x2000  }
0xfc: {  	[hbm4b:s3+s2] =	stream.indirect_vreg.scatter [tilespmem:s25], [sflag:$0x1], $0x80, v4, vm0, $0xb8;
	[tilespmem:$0x10100] =	vst v63  }
0xfd: {  	_ = 	snop  }
0xfe: {  	[hbm4b:s3+s2] =	stream.indirect_vreg.scatter [tilespmem:s26], [sflag:$0x1], $0x80, v3, vm0, $0xb8;
	[tilespmem:$0x10100] =	vst v63  }
0xff: {  	v3 =	vld [tilespmem:$0x10030];
	_ =	sdelay $0x4  }
0x100: {  	v51 =	vshll.u32 v3, $0x1  }
0x101: {  	v3 =	vand.u32 $0x7, v3;
	v4 =	vand.u32 $0xFFFFFFF0, v51  }
0x102: {  	v3 =	vor.u32 v3, v4  }
0x103: {  	v4 =	vperm.xlane v3, v0;
	_ =	sdelay $0x1  }
0x104: {  	v3 =	vperm.xlane v3, v2;
	v4 =	vadd.s32 v1, v4;
	_ =	sdelay $0x1  }
0x105: {  	v3 =	vadd.s32 v1, v3;
	_ =	sdelay $0x1  }
0x106: {  	s25 =	simm.s32 $0x3000  }
0x107: {  	[hbm4b:s3+s2] =	stream.indirect_vreg.scatter [tilespmem:s25], [sflag:$0x1], $0x80, v4, vm0, $0xb8;
	[tilespmem:$0x10100] =	vst v63  }
0x108: {  	_ = 	snop  }
0x109: {  	[hbm4b:s3+s2] =	stream.indirect_vreg.scatter [tilespmem:s30], [sflag:$0x1], $0x80, v3, vm0, $0xb8;
	[tilespmem:$0x10100] =	vst v63  }
0x10a: {  	v3 =	vld [tilespmem:$0x10040];
	_ =	sdelay $0x4  }
0x10b: {  	v52 =	vshll.u32 v3, $0x1  }
0x10c: {  	v3 =	vand.u32 $0x7, v3;
	v4 =	vand.u32 $0xFFFFFFF0, v52  }
0x10d: {  	v3 =	vor.u32 v3, v4  }
0x10e: {  	v4 =	vperm.xlane v3, v0;
	_ =	sdelay $0x1  }
0x10f: {  	v3 =	vperm.xlane v3, v2;
	v4 =	vadd.s32 v1, v4;
	_ =	sdelay $0x1  }
0x110: {  	v3 =	vadd.s32 v1, v3;
	_ =	sdelay $0x2  }
0x111: {  	[hbm4b:s3+s2] =	stream.indirect_vreg.scatter [tilespmem:s31], [sflag:$0x1], $0x80, v4, vm0, $0xb8;
	[tilespmem:$0x10100] =	vst v63  }
0x112: {  	_ = 	snop  }
0x113: {  	[hbm4b:s3+s2] =	stream.indirect_vreg.scatter [tilespmem:s0], [sflag:$0x1], $0x80, v3, vm0, $0xb8;
	[tilespmem:$0x10100] =	vst v63  }
0x114: {  	v3 =	vld [tilespmem:$0x10050];
	_ =	sdelay $0x4  }
0x115: {  	v53 =	vshll.u32 v3, $0x1  }
0x116: {  	v3 =	vand.u32 $0x7, v3;
	v4 =	vand.u32 $0xFFFFFFF0, v53  }
0x117: {  	v3 =	vor.u32 v3, v4  }
0x118: {  	v4 =	vperm.xlane v3, v0;
	_ =	sdelay $0x1  }
0x119: {  	v3 =	vperm.xlane v3, v2;
	v4 =	vadd.s32 v1, v4;
	_ =	sdelay $0x1  }
0x11a: {  	v3 =	vadd.s32 v1, v3;
	_ =	sdelay $0x2  }
0x11b: {  	[hbm4b:s3+s2] =	stream.indirect_vreg.scatter [tilespmem:s1], [sflag:$0x1], $0x80, v4, vm0, $0xb8;
	[tilespmem:$0x10100] =	vst v63  }
0x11c: {  	_ = 	snop  }
0x11d: {  	[hbm4b:s3+s2] =	stream.indirect_vreg.scatter [tilespmem:s4], [sflag:$0x1], $0x80, v3, vm0, $0xb8;
	[tilespmem:$0x10100] =	vst v63  }
0x11e: {  	v3 =	vld [tilespmem:$0x10060];
	_ =	sdelay $0x4  }
0x11f: {  	v54 =	vshll.u32 v3, $0x1  }
0x120: {  	v3 =	vand.u32 $0x7, v3;
	v4 =	vand.u32 $0xFFFFFFF0, v54  }
0x121: {  	v3 =	vor.u32 v3, v4  }
0x122: {  	v4 =	vperm.xlane v3, v0;
	_ =	sdelay $0x1  }
0x123: {  	v3 =	vperm.xlane v3, v2;
	v4 =	vadd.s32 v1, v4;
	_ =	sdelay $0x1  }
0x124: {  	v3 =	vadd.s32 v1, v3;
	_ =	sdelay $0x2  }
0x125: {  	[hbm4b:s3+s2] =	stream.indirect_vreg.scatter [tilespmem:s5], [sflag:$0x1], $0x80, v4, vm0, $0xb8;
	[tilespmem:$0x10100] =	vst v63  }
0x126: {  	_ = 	snop  }
0x127: {  	[hbm4b:s3+s2] =	stream.indirect_vreg.scatter [tilespmem:s6], [sflag:$0x1], $0x80, v3, vm0, $0xb8;
	[tilespmem:$0x10100] =	vst v63  }
0x128: {  	v3 =	vld [tilespmem:$0x10070];
	_ =	sdelay $0x4  }
0x129: {  	v55 =	vshll.u32 v3, $0x1  }
0x12a: {  	v3 =	vand.u32 $0x7, v3;
	v4 =	vand.u32 $0xFFFFFFF0, v55  }
0x12b: {  	v3 =	vor.u32 v3, v4  }
0x12c: {  	v4 =	vperm.xlane v3, v0;
	_ =	sdelay $0x1  }
0x12d: {  	v3 =	vperm.xlane v3, v2;
	v4 =	vadd.s32 v1, v4;
	_ =	sdelay $0x1  }
0x12e: {  	v3 =	vadd.s32 v1, v3;
	_ =	sdelay $0x2  }
0x12f: {  	[hbm4b:s3+s2] =	stream.indirect_vreg.scatter [tilespmem:s7], [sflag:$0x1], $0x80, v4, vm0, $0xb8;
	[tilespmem:$0x10100] =	vst v63  }
0x130: {  	_ = 	snop  }
0x131: {  	[hbm4b:s3+s2] =	stream.indirect_vreg.scatter [tilespmem:s8], [sflag:$0x1], $0x80, v3, vm0, $0xb8;
	[tilespmem:$0x10100] =	vst v63  }
0x132: {  	_ =	swait.ge [sflag:s17], $0x8000  }
0x133: {  	s25 =	rddreg [dreg:$0x3];
	[sflag:s17] =	ssyncset.done $0x0  }
0x134: {  	[sflag:s17] =	ssyncadd.s32 $0xFFFF8000;
	s20 =	sadd.s32 s19, s25  }
0x135: {  	[tilespmem:s9], [sflag:$0x3] =	stream.linear.gather [hbm4b:s20+s2], $0x80, $0x38;
	[tilespmem:$0x10100] =	vst v63  }
0x136: {  	_ =	swait.ge [sflag:s11], $0x80  }
0x137: {  	[sflag:s11] =	ssyncset.done $0x0  }
0x138: {  	[sflag:s11] =	ssyncadd.s32 $0xFFFFFF80  }
0x139: {  	[tilespmem:s29], [sflag:$0x3] =	stream.linear.gather [hbm4b:s18+s2], $0x8000, $0x38;
	[tilespmem:$0x10100] =	vst v63  }
0x13a: {  	_ =	swait.ge [sflag:s11], $0x8000  }
0x13b: {  	[sflag:s11] =	ssyncset.done $0x0  }
0x13c: {  	[sflag:s11] =	ssyncadd.s32 $0xFFFF8000  }
0x13d: {  	v3 =	vld [tilespmem:$0x10080];
	_ =	sdelay $0x4  }
0x13e: {  	v56 =	vshll.u32 v3, $0x1  }
0x13f: {  	v3 =	vand.u32 $0x7, v3;
	v4 =	vand.u32 $0xFFFFFFF0, v56  }
0x140: {  	v3 =	vor.u32 v3, v4  }
0x141: {  	v4 =	vperm.xlane v3, v0;
	_ =	sdelay $0x1  }
0x142: {  	v3 =	vperm.xlane v3, v2;
	v4 =	vadd.s32 v1, v4;
	_ =	sdelay $0x1  }
0x143: {  	v3 =	vadd.s32 v1, v3;
	_ =	sdelay $0x2  }
0x144: {  	[hbm4b:s3+s2] =	stream.indirect_vreg.scatter [tilespmem:s29], [sflag:$0x2], $0x80, v4, vm0, $0xb8;
	[tilespmem:$0x10100] =	vst v63  }
0x145: {  	_ = 	snop  }
0x146: {  	[hbm4b:s3+s2] =	stream.indirect_vreg.scatter [tilespmem:s10], [sflag:$0x2], $0x80, v3, vm0, $0xb8;
	[tilespmem:$0x10100] =	vst v63  }
0x147: {  	v3 =	vld [tilespmem:$0x10090];
	_ =	sdelay $0x4  }
0x148: {  	v57 =	vshll.u32 v3, $0x1  }
0x149: {  	v3 =	vand.u32 $0x7, v3;
	v4 =	vand.u32 $0xFFFFFFF0, v57  }
0x14a: {  	v3 =	vor.u32 v3, v4  }
0x14b: {  	v4 =	vperm.xlane v3, v0;
	_ =	sdelay $0x1  }
0x14c: {  	v3 =	vperm.xlane v3, v2;
	v4 =	vadd.s32 v1, v4;
	_ =	sdelay $0x1  }
0x14d: {  	v3 =	vadd.s32 v1, v3;
	_ =	sdelay $0x2  }
0x14e: {  	[hbm4b:s3+s2] =	stream.indirect_vreg.scatter [tilespmem:s12], [sflag:$0x2], $0x80, v4, vm0, $0xb8;
	[tilespmem:$0x10100] =	vst v63  }
0x14f: {  	_ = 	snop  }
0x150: {  	[hbm4b:s3+s2] =	stream.indirect_vreg.scatter [tilespmem:s13], [sflag:$0x2], $0x80, v3, vm0, $0xb8;
	[tilespmem:$0x10100] =	vst v63  }
0x151: {  	v3 =	vld [tilespmem:$0x100A0];
	_ =	sdelay $0x4  }
0x152: {  	v58 =	vshll.u32 v3, $0x1  }
0x153: {  	v3 =	vand.u32 $0x7, v3;
	v4 =	vand.u32 $0xFFFFFFF0, v58  }
0x154: {  	v3 =	vor.u32 v3, v4  }
0x155: {  	v4 =	vperm.xlane v3, v0;
	_ =	sdelay $0x1  }
0x156: {  	v3 =	vperm.xlane v3, v2;
	v4 =	vadd.s32 v1, v4;
	_ =	sdelay $0x1  }
0x157: {  	v3 =	vadd.s32 v1, v3;
	_ =	sdelay $0x2  }
0x158: {  	[hbm4b:s3+s2] =	stream.indirect_vreg.scatter [tilespmem:s14], [sflag:$0x2], $0x80, v4, vm0, $0xb8;
	[tilespmem:$0x10100] =	vst v63  }
0x159: {  	_ = 	snop  }
0x15a: {  	[hbm4b:s3+s2] =	stream.indirect_vreg.scatter [tilespmem:s15], [sflag:$0x2], $0x80, v3, vm0, $0xb8;
	[tilespmem:$0x10100] =	vst v63  }
0x15b: {  	v3 =	vld [tilespmem:$0x100B0];
	_ =	sdelay $0x4  }
0x15c: {  	v59 =	vshll.u32 v3, $0x1  }
0x15d: {  	v3 =	vand.u32 $0x7, v3;
	v4 =	vand.u32 $0xFFFFFFF0, v59  }
0x15e: {  	v3 =	vor.u32 v3, v4  }
0x15f: {  	v4 =	vperm.xlane v3, v0;
	_ =	sdelay $0x1  }
0x160: {  	v3 =	vperm.xlane v3, v2;
	v4 =	vadd.s32 v1, v4;
	_ =	sdelay $0x1  }
0x161: {  	v3 =	vadd.s32 v1, v3;
	_ =	sdelay $0x2  }
0x162: {  	[hbm4b:s3+s2] =	stream.indirect_vreg.scatter [tilespmem:s23], [sflag:$0x2], $0x80, v4, vm0, $0xb8;
	[tilespmem:$0x10100] =	vst v63  }
0x163: {  	s25 =	simm.s32 $0xB800  }
0x164: {  	[hbm4b:s3+s2] =	stream.indirect_vreg.scatter [tilespmem:s25], [sflag:$0x2], $0x80, v3, vm0, $0xb8;
	[tilespmem:$0x10100] =	vst v63  }
0x165: {  	v3 =	vld [tilespmem:$0x100C0];
	_ =	sdelay $0x4  }
0x166: {  	v60 =	vshll.u32 v3, $0x1  }
0x167: {  	v3 =	vand.u32 $0x7, v3;
	v4 =	vand.u32 $0xFFFFFFF0, v60  }
0x168: {  	v3 =	vor.u32 v3, v4  }
0x169: {  	v4 =	vperm.xlane v3, v0;
	_ =	sdelay $0x1  }
0x16a: {  	v3 =	vperm.xlane v3, v2;
	v4 =	vadd.s32 v1, v4;
	_ =	sdelay $0x1  }
0x16b: {  	v3 =	vadd.s32 v1, v3;
	_ =	sdelay $0x1  }
0x16c: {  	s25 =	simm.s32 $0xC000  }
0x16d: {  	[hbm4b:s3+s2] =	stream.indirect_vreg.scatter [tilespmem:s25], [sflag:$0x2], $0x80, v4, vm0, $0xb8;
	[tilespmem:$0x10100] =	vst v63  }
0x16e: {  	s25 =	simm.s32 $0xC800  }
0x16f: {  	[hbm4b:s3+s2] =	stream.indirect_vreg.scatter [tilespmem:s25], [sflag:$0x2], $0x80, v3, vm0, $0xb8;
	[tilespmem:$0x10100] =	vst v63  }
0x170: {  	v3 =	vld [tilespmem:$0x100D0];
	_ =	sdelay $0x4  }
0x171: {  	v61 =	vshll.u32 v3, $0x1  }
0x172: {  	v3 =	vand.u32 $0x7, v3;
	v4 =	vand.u32 $0xFFFFFFF0, v61  }
0x173: {  	v3 =	vor.u32 v3, v4  }
0x174: {  	v4 =	vperm.xlane v3, v0;
	_ =	sdelay $0x1  }
0x175: {  	v3 =	vperm.xlane v3, v2;
	v4 =	vadd.s32 v1, v4;
	_ =	sdelay $0x1  }
0x176: {  	v3 =	vadd.s32 v1, v3;
	_ =	sdelay $0x1  }
0x177: {  	s25 =	simm.s32 $0xD000  }
0x178: {  	[hbm4b:s3+s2] =	stream.indirect_vreg.scatter [tilespmem:s25], [sflag:$0x2], $0x80, v4, vm0, $0xb8;
	[tilespmem:$0x10100] =	vst v63  }
0x179: {  	s25 =	simm.s32 $0xD800  }
0x17a: {  	[hbm4b:s3+s2] =	stream.indirect_vreg.scatter [tilespmem:s25], [sflag:$0x2], $0x80, v3, vm0, $0xb8;
	[tilespmem:$0x10100] =	vst v63  }
0x17b: {  	v3 =	vld [tilespmem:$0x100E0];
	_ =	sdelay $0x4  }
0x17c: {  	v62 =	vshll.u32 v3, $0x1  }
0x17d: {  	v3 =	vand.u32 $0x7, v3;
	v4 =	vand.u32 $0xFFFFFFF0, v62  }
0x17e: {  	v3 =	vor.u32 v3, v4  }
0x17f: {  	v4 =	vperm.xlane v3, v0;
	_ =	sdelay $0x1  }
0x180: {  	v3 =	vperm.xlane v3, v2;
	v4 =	vadd.s32 v1, v4;
	_ =	sdelay $0x1  }
0x181: {  	v3 =	vadd.s32 v1, v3;
	_ =	sdelay $0x1  }
0x182: {  	s25 =	simm.s32 $0xE000  }
0x183: {  	[hbm4b:s3+s2] =	stream.indirect_vreg.scatter [tilespmem:s25], [sflag:$0x2], $0x80, v4, vm0, $0xb8;
	[tilespmem:$0x10100] =	vst v63  }
0x184: {  	s25 =	simm.s32 $0xE800  }
0x185: {  	[hbm4b:s3+s2] =	stream.indirect_vreg.scatter [tilespmem:s25], [sflag:$0x2], $0x80, v3, vm0, $0xb8;
	[tilespmem:$0x10100] =	vst v63  }
0x186: {  	v3 =	vld [tilespmem:$0x100F0];
	_ =	sdelay $0x4  }
0x187: {  	v63 =	vshll.u32 v3, $0x1  }
0x188: {  	v3 =	vand.u32 $0x7, v3;
	v4 =	vand.u32 $0xFFFFFFF0, v63  }
0x189: {  	v3 =	vor.u32 v3, v4  }
0x18a: {  	v4 =	vperm.xlane v3, v0;
	_ =	sdelay $0x1  }
0x18b: {  	v3 =	vperm.xlane v3, v2;
	v4 =	vadd.s32 v1, v4;
	_ =	sdelay $0x1  }
0x18c: {  	p0 =	sne.s32 s19, $0x1C0;
	v3 =	vadd.s32 v1, v3  }
.Ltmp0:
0x18d: {  	_ = 	snop;
	(pc) =	sbr.rel @p0 .LBB2_2-.Ltmp0, $4  }
0x18e: {  	_ = 	snop  }
0x18f: {  	[hbm4b:s3+s2] =	stream.indirect_vreg.scatter [tilespmem:s28], [sflag:$0x2], $0x80, v4, vm0, $0xb8;
	[tilespmem:$0x10100] =	vst v63  }
0x190: {  	s19 =	sadd.s32 $0x20, s19;
	s18 =	sadd.s32 $0x2000, s18  }
0x191: {  	[hbm4b:s3+s2] =	stream.indirect_vreg.scatter [tilespmem:s21], [sflag:$0x2], $0x80, v3, vm0, $0xb8;
	[tilespmem:$0x10100] =	vst v63  }
0x192: {  	_ =	swait.ge [sflag:s16], $0x8000;
	s19 =	simm.s32 $0x10000;
	s20 =	simm.s32 $0x800  }
0x193: {  	s21 =	simm.s32 $0x1000;
	s22 =	simm.s32 $0x1800;
	[sflag:s16] =	ssyncset.done $0x0  }
0x194: {  	s23 =	simm.s32 $0x2000;
	s24 =	simm.s32 $0x2800;
	[sflag:s16] =	ssyncadd.s32 $0xFFFF8000  }
0x195: {  	s25 =	simm.s32 $0x3000;
	s26 =	simm.s32 $0x3800;
	_ =	swait.ge [sflag:s17], $0x8000  }
0x196: {  	s28 =	simm.s32 $0x4000;
	s1 =	simm.s32 $0x5000;
	s0 =	rddreg [dreg:$0xb]  }
0x197: {  	s4 =	simm.s32 $0x5800;
	s18 =	rddreg [dreg:$0x9];
	s0 =	sadd.s32 $0x1, s0  }
0x198: {  	s5 =	simm.s32 $0x6000;
	s6 =	simm.s32 $0x6800;
	p0 =	sne.s32 s0, s18  }
.Ltmp1:
0x199: {  	s7 =	simm.s32 $0x7000;
	s8 =	simm.s32 $0x7800;
	(pc) =	sbr.rel @p0 .LBB2_1-.Ltmp1, $4  }
0x19a: {  	s9 =	simm.s32 $0x10080;
	s10 =	simm.s32 $0x8800;
	s12 =	simm.s32 $0x9000  }
0x19b: {  	s13 =	simm.s32 $0x9800;
	s14 =	simm.s32 $0xA000;
	s15 =	simm.s32 $0xA800  }
0x19c: {  	s30 =	simm.s32 $0xB000;
	s31 =	simm.s32 $0xB800;
	[sflag:s17] =	ssyncset.done $0x0  }
0x19d: {  	[sflag:s17] =	ssyncadd.s32 $0xFFFF8000;
	[dreg:$0xb] =	wrdreg s0;
	s0 =	simm.s32 $0x4800  }
0x19e: {  	_ =	sfence.sel $0x180000  }
0x19f: {  	[bflag:$0x0] =	sbarrier.arrive $0xFFFF  }
0x1a0: {  	_ =	strace $0x90000047  }
0x1a1: {  	s0 =	stileid.u32;
	[bflag:$0x2] =	sbarrier.arrive $0xFFFF  }
0x1a2: {  	p0 =	sne.s32 s0, $0x0;
	s0 =	rddreg [dreg:$0x2]  }
0x1a3: {  	s0 =	sadd.s32 @!p0 $0x100000, s0  }
0x1a4: {  	[sflag:s0] =	ssyncadd.tile.s32 @!p0 $0x1;
	_ =	shalt  }
.Lfunc_end2:
_tile_overlayer_lowered:
.L_overlay_start_2:
0x1a5: {  	(tag) =	ssettag $0x2  }
0x1a6: {  	s0 =	rddreg [dreg:$0x0];
	s2 =	stileid.u32  }
0x1a7: {  	s1 =	rddreg [dreg:$0x1];
	p0 =	sne.s32 s2, $0x0  }
0x1a8: {  	s3 =	rddreg [dreg:$0x2];
	[bflag:$0x3] =	sbarrier.arrive $0xFFFF;
	s2 =	simm.s32 @!p0 $0x1C03  }
0x1a9: {  	[timem:s3], [sflag:s2] =	dma.local @!p0 [hbm:s0], s1  }
0x1aa: {  	s0 =	simm.s32 @!p0 $0x3  }
0x1ab: {  	_ =	swait.ge @!p0 [sflag:s0], s1  }
0x1ac: {  	s1 =	ssub.s32 @!p0 $0x0, s1;
	[sflag:s0] =	ssyncset.done @!p0 $0x0  }
0x1ad: {  	[sflag:s0] =	ssyncadd.s32 @!p0 s1  }
0x1ae: {  	[bflag:$0x3] =	sbarrier.arrive $0xFFFF  }
0x1af: {  	_ =	shalt  }

// kernel: sparse-core-data-format-call.cloned.1.call-start
scs
called_computation_lowered:
.L_overlay_start_0:
0x0: {  	s2 =	sld [smem:$0x3FD9]  }
0x1: {  	s3 =	sld [smem:$0x3FFE];
	_ =	sdelay $0x1  }
0x2: {  	s1 =	srdreg.scid  }
0x3: {  	s0 =	sand.u32 $0x1, s1  }
0x4: {  	s15 =	sshll.u32 s0, $0xA;
	s2 =	sadd.s32 s3, s2  }
0x5: {  	s2 =	sadd.s32 s2, s15  }
0x6: {  	[smem:$0x3FC4] =	sst s2  }
0x7: {  	_ = 	snop  }
0x8: {  	s2 =	sld [smem:$0x3FD0];
	_ =	sdelay $0x2  }
0x9: {  	s16 =	simm.s32 $0xA;
	s4 =	simm.s32 $0x10  }
0xa: {  	[smem:s4], [sflag:s16] =	dma.local [hbm:s2], $0x1  }
0xb: {  	_ =	swait.eq [sflag:s16], $0x1  }
0xc: {  	[sflag:s16] =	ssyncset.done $0x0  }
0xd: {  	[sflag:s16] =	ssyncadd.s32 $0xFFFFFFFF  }
0xe: {  	s17 =	sld [smem:$0x10];
	(tm) =	ssettm $0x1  }
0xf: {  	s18 =	sld [smem:$0x3FFB];
	_ =	sdelay $0x3  }
0x10: {  	_ =	strace s18  }
0x11: {  	s3 =	sld [smem:$0x3FFC];
	_ =	sdelay $0x3  }
0x12: {  	_ =	strace s3  }
0x13: {  	s3 =	sld [smem:$0x3FFD];
	_ =	sdelay $0x3  }
0x14: {  	_ =	strace s3  }
0x15: {  	_ =	strace $0x8FFFFFFF  }
0x16: {  	s19 =	sld [smem:$0x3FDB];
	_ =	sdelay $0x1  }
0x17: {  	s20 =	simm.s32 $_scs_section_size  }
0x18: {  	s5 =	simm.s32 $_size__tile_overlayer_lowered;
	s6 =	simm.s32 $_tile_overlayer_lowered  }
0x19: {  	s23 =	simm.s32 $0x1BFF;
	s22 =	sshll.u32 s6, $0x1;
	s3 =	sadd.s32 s20, s19  }
0x1a: {  	s7 =	simm.s32 $0x0;
	s21 =	sshll.u32 s5, $0x1;
	s5 =	sadd.s32 s22, s3  }
0x1b: {  	[timem:s7], [sflag:s23] =	dma.local [hbm:s5], s21  }
0x1c: {  	_ =	swait.ge [sflag:s23], s21  }
0x1d: {  	s4 =	ssub.s32 $0x0, s21;
	[sflag:s23] =	ssyncset.done $0x0  }
0x1e: {  	[sflag:s23] =	ssyncadd.s32 s4;
	_ =	sdelay $0x1  }
0x1f: {  	s24 =	simm.s32 $0x1B8B  }
0x20: {  	_ =	swait.ge [sflag:s24], $0x1  }
0x21: {  	[sflag:s24] =	ssyncset.done $0x0  }
0x22: {  	s26 =	simm.s32 $0x1B8E;
	s25 =	sld [smem:$0x3FFE];
	[sflag:s24] =	ssyncadd.s32 $0xFFFFFFFF  }
0x23: {  	s27 =	simm.s32 $execute0_lowered;
	[smem:$0x3FD2] =	sst s26  }
0x24: {  	s5 =	sshll.u32 s27, $0x1;
	_ =	strace $0x80000049;
	[dreg:$0x1] =	wrdreg $0xFFFFFFFF  }
0x25: {  	s28 =	simm.s32 $_size_execute0_lowered;
	s3 =	sadd.s32 s3, s5;
	[dreg:$0x0] =	wrdreg $0x0  }
0x26: {  	s5 =	sshll.u32 s28, $0x1;
	[dreg:$0x2] =	wrdreg s3  }
0x27: {  	[dreg:$0x3] =	wrdreg s5  }
0x28: {  	[dreg:$0x4] =	wrdreg $0xC0  }
0x29: {  	_ =	task [dreg:s7], $0x5FFFF  }
0x2a: {  	[dreg:$0x1] =	wrdreg $0xFFFFFFFF  }
0x2b: {  	[dreg:$0x0] =	wrdreg $0x60  }
0x2c: {  	[dreg:$0x2] =	wrdreg s25  }
0x2d: {  	[dreg:$0x3] =	wrdreg s17  }
0x2e: {  	[dreg:$0x4] =	wrdreg $0x9  }
0x2f: {  	_ =	task.clear_ibuf [dreg:s7], $0x5FFFF;
	_ =	strace $0x90000049  }
0x30: {  	s29 =	simm.s32 $0x9;
	_ =	strace $0x8000004B  }
0x31: {  	_ =	swait.ge [sflag:s29], $0x1  }
0x32: {  	[sflag:s29] =	ssyncadd.s32 $0xFFFFFFFF  }
0x33: {  	_ =	strace $0x9000004B  }
0x34: {  	_ =	sfence  }
0x35: {  	s30 =	sld [smem:$0x0];
	_ =	sdelay $0x2  }
0x36: {  	s31 =	sshll.u32 s1, $0xD;
	s1 =	sshrl.u32 s1, $0x2  }
0x37: {  	s3 =	sand.u32 $0x4000, s31;
	s1 =	sadd.s32 s1, s30  }
0x38: {  	s0 =	sor.u32 s3, s0;
	s1 =	sshll.u32 s1, $0x11  }
0x39: {  	s0 =	sor.u32 s1, s0  }
0x3a: {  	s0 =	sadd.s32 $0x8F2B, s0  }
0x3b: {  	[sflag:s0] =	ssyncadd.remote.s32 $0x1  }
0x3c: {  	_ =	sfence.sel $0xFFFF  }
0x3d: {  	[dreg:$0x0] =	wrdreg $0xFFFFFFFF;
	(pc) =	sbr.abs _section_cstart, $3  }
0x3e: {  	[dreg:$0x1] =	wrdreg $0xFFFFFFFF  }
0x3f: {  	_ =	task.clear_ibuf [dreg:s7], $0x2FFFF;
	_ =	strace $0x9FFFFFFF  }
0x40: {  	(tm) =	ssettm $0x7FFFFFFF  }
0x41: {  	_ =	shalt  }
tec
execute0_lowered:
.L_overlay_start_1:
0x0: {  	(tag) =	ssettag $0x1  }
0x1: {  	s5 =	rddreg [dreg:$0x0]  }
0x2: {  	s0 =	srdreg.scid;
	s3 =	rddreg [dreg:$0x1];
	s7 =	simm.s32 $0x1  }
0x3: {  	s8 =	simm.s32 $0x2;
	s15 =	simm.s32 $0x0;
	s1 =	sshll.u32 s0, $0x4  }
0x4: {  	s14 =	simm.s32 $0x0;
	s0 =	stileid.u32;
	s1 =	sand.u32 $0x10, s1  }
0x5: {  	s9 =	simm.s32 $0x0;
	s10 =	simm.s32 $0x0;
	s1 =	sor.u32 s0, s1  }
0x6: {  	s11 =	simm.s32 $0x0;
	s13 =	simm.s32 $0x0;
	s2 =	sshll.u32 s1, $0x7  }
0x7: {  	s5 =	sadd.s32 $0x400800, s5;
	s1 =	rddreg [dreg:$0x2];
	s6 =	ssub.s32 $0x20000, s2  }
.Ltmp0:
0x8: {  	_ =	strace $0x8000004A;
	s4 =	sand.u32 $0xF80, s6;
	(pc) =	sbr.rel .LBB1_1-.Ltmp0, $4  }
0x9: {  	s12 =	smov.u32 s2;
	p0 =	sne.s32 s4, $0x0;
	s4 =	simm.s32 $0x1  }
0xa: {  	s6 =	sshrl.u32 s6, $0xC;
	s7 =	simm.s32 @!p0 $0x0;
	[sflag:s4] =	ssyncpa.u1 $0x0  }
0xb: {  	p0 =	por $0x0, $0x0;
	s7 =	sadd.s32 s7, s6;
	[sflag:s8] =	ssyncpa.u1 $0x0  }
0xc: {  	s8 =	simm.s32 $0x100000;
	s6 =	sshll.u32 s7, $0x1;
	s7 =	sshllo.u32 s7, $0x1  }
.LBB1_4:
0xd: {  	s21 =	sshll.u32 s9, $0x11;
	s22 =	sshll.u32 s10, $0x3;
	s20 =	sshra.s32 s20, $0x2  }
0xe: {  	s28 =	sand.u32 $0x78, s10;
	s29 =	sshll.u32 s9, $0x7;
	p1 =	sgt.s32 s9, $0x18  }
0xf: {  	s25 =	sshra.s32 s9, $0x1F;
	s31 =	sshra.s32 s10, $0x1F;
	s21 =	sand.u32 $0xFFF00000, s21  }
0x10: {  	s23 =	sand.u32 $0xFFFFFC00, s22;
	s19 =	sadd.s32 s20, s19;
	s22 =	sand.u32 $0x1FC00, s22  }
0x11: {  	v5 =	vld [tilespmem:s17+$0xFFFFFFD0];
	[tilespmem:s18+$0x2040 ss:$0x81] =	vst.msk $0xffff, v4;
	s25 =	sand.u32 s25, s9;
	s27 =	sadd.s32 s23, s21;
	s23 =	sand.u32 $0x380, s29  }
0x12: {  	v58 =	vld [tilespmem:s17+$0xFFFFFFE0];
	[tilespmem:s18+$0x2850 ss:$0x81] =	vst.msk $0xffff, v3;
	s21 =	sor.u32 s28, s22;
	s22 =	smov.u32 s9;
	s20 =	sshrl.u32 s27, $0x11  }
0x13: {  	v59 =	vld [tilespmem:s17+$0xFFFFFFF0];
	[tilespmem:s18+$0x3060 ss:$0x81] =	vst.msk $0xffff, v2;
	s22 =	simm.s32 @!p1 $0x18;
	p1 =	sgt.s32 s10, $0x1FF80;
	s24 =	smul.u32 $0xD795, s20  }
0x14: {  	v60 =	vld [tilespmem:s17+$0x0];
	[tilespmem:s18+$0x0 ss:$0x81] =	vst.msk $0xffff, v1;
	s21 =	sor.u32 s23, s21;
	s30 =	ssub.s32 s22, s25;
	s22 =	smov.u32 s10  }
0x15: {  	v61 =	vld [tilespmem:s17+$0x10];
	[tilespmem:s19+$0x3870 ss:$0x81] =	vst.msk $0xffff, v0;
	s25 =	sand.u32 s31, s10;
	s22 =	simm.s32 @!p1 $0x1FF80;
	s24 =	sshrl.u32 s24, $0x17  }
0x16: {  	v62 =	vld [tilespmem:s17+$0x20];
	[tilespmem:s19+$0x810 ss:$0x81] =	vst.msk $0xffff, v5;
	s26 =	sadd.s32 $0xFFFFFFE8, s30;
	s22 =	ssub.s32 s22, s25;
	s24 =	smul.u32 $0x98, s24  }
0x17: {  	v63 =	vld [tilespmem:s17+$0xFFFFFFC0];
	[tilespmem:s19+$0x1020 ss:$0x81] =	vst.msk $0xffff, v58;
	s18 =	ssub.s32 $0x98, s30;
	p1 =	sgt.s32 s26, $0x7F;
	s28 =	sadd.s32 $0xFFFE0080, s22  }
0x18: {  	[tilespmem:s19+$0x1830 ss:$0x81] =	vst.msk $0xffff, v59;
	p2 =	sgt.s32 s28, $0x7F;
	s27 =	ssub.s32 s20, s24;
	s20 =	ssub.s32 $0x20000, s22  }
0x19: {  	s29 =	sshrl.u32 s21, $0x3;
	[tilespmem:s19+$0x2040 ss:$0x81] =	vst.msk $0xffff, v60;
	s18 =	simm.s32 @p1 $0x0;
	s20 =	simm.s32 @p2 $0x0  }
0x1a: {  	[tilespmem:s19+$0x2850 ss:$0x81] =	vst.msk $0xffff, v61;
	s30 =	sand.u32 $0x7, s10;
	s17 =	sand.u32 $0xFFFF, s27;
	s18 =	smul.u32 s20, s18  }
0x1b: {  	[tilespmem:s19+$0x3060 ss:$0x81] =	vst.msk $0xffff, v62;
	s21 =	sshll.u32 s30, $0x12;
	s17 =	sshll.u32 s17, $0xE;
	s20 =	sadd.s32 s3, s29  }
0x1c: {  	[tilespmem:s19+$0x0 ss:$0x81] =	vst.msk $0xffff, v63;
	s31 =	sor.u32 $0x400, s21;
	s17 =	sadd.s32 s17, s20;
	s18 =	sand.u32 $0x3FFFFFFF, s18  }
0x1d: {  	[hbm4b:s17+s31] =	stream.strided.scatter [tilespmem:s16], [sflag:$0x2], s18, s8, s31, $0x20;
	[tilespmem:$0x10100] =	vst v63  }
.LBB1_5:
0x1e: {  	p1 =	slt.u32 s13, $0x2  }
0x1f: {  	s17 =	smov.u32 s15;
	p2 =	sgt.s32 @!p1 s15, $0x18;
	s16 =	sshra.s32 @!p1 s15, $0x1F  }
0x20: {  	p3 =	sgt.s32 @!p1 s14, $0x1FF80;
	s18 =	sshra.s32 @!p1 s14, $0x1F;
	p2 =	por !p2, p1  }
0x21: {  	s15 =	sand.u32 @!p1 s16, s15;
	p3 =	por !p3, p1;
	s16 =	smov.u32 s14  }
0x22: {  	s14 =	sand.u32 @!p1 s18, s14;
	s17 =	simm.s32 @p2 $0x18;
	s16 =	simm.s32 @p3 $0x1FF80  }
0x23: {  	s15 =	ssub.s32 @!p1 s17, s15;
	s14 =	ssub.s32 @!p1 s16, s14  }
0x24: {  	s18 =	smov.u32 s12;
	s16 =	sadd.s32 @!p1 $0xFFFFFFE8, s15;
	s17 =	sadd.s32 @!p1 $0xFFFE0080, s14  }
0x25: {  	s15 =	ssub.s32 @!p1 $0x98, s15;
	p2 =	sgt.s32 @!p1 s16, $0x7F;
	p3 =	sgt.s32 @!p1 s17, $0x7F  }
0x26: {  	s14 =	ssub.s32 @!p1 $0x20000, s14;
	p2 =	por !p2, p1;
	p3 =	por !p3, p1  }
0x27: {  	s16 =	sadd.s32 $0x80, s11;
	s15 =	simm.s32 @!p2 $0x0;
	s14 =	simm.s32 @!p3 $0x0  }
0x28: {  	p2 =	sgt.s32 s16, $0x95;
	s14 =	smul.u32 @!p1 s14, s15;
	s15 =	sadd.s32 $0x1000, s12  }
0x29: {  	s18 =	smov.u32 @p2 s15  }
0x2a: {  	s16 =	simm.s32 @p2 $0x0;
	p2 =	sgt.s32 s18, $0x1FFFF  }
0x2b: {  	s18 =	smov.u32 @p2 s2;
	p2 =	sne.s32 s13, s7  }
.Ltmp1:
0x2c: {  	p0 =	por !p0, !p0;
	s17 =	simm.s32 @!p1 $0x2;
	(pc) =	sbr.rel @!p2 .LBB1_6-.Ltmp1, $4  }
0x2d: {  	s15 =	smov.u32 s9;
	s9 =	smov.u32 s11;
	s14 =	sand.u32 @!p1 $0x3FFFFFFF, s14  }
0x2e: {  	s11 =	smov.u32 s16;
	_ =	swait.ge @!p1 [sflag:s17], s14;
	s19 =	ssub.s32 @!p1 $0x0, s14  }
0x2f: {  	s14 =	smov.u32 s10;
	s13 =	sadd.s32 $0x1, s13;
	[sflag:s17] =	ssyncset.done @!p1 $0x0  }
0x30: {  	s10 =	smov.u32 s12;
	s12 =	smov.u32 s18;
	[sflag:s17] =	ssyncadd.s32 @!p1 s19  }
.LBB1_1:
0x31: {  	p1 =	sge.u32 s13, s6  }
0x32: {  	s31 =	sadd.s32 $0xFFFFFFFF, s13;
	s16 =	sshll.u32 @!p1 s12, $0x8  }
0x33: {  	s17 =	sshll.u32 @!p1 s11, $0x3;
	s18 =	sshll.u32 @!p1 s12, $0x7;
	s16 =	sand.u32 @!p1 $0x1FFF800, s16  }
0x34: {  	s19 =	sand.u32 @!p1 $0x78, s11;
	s16 =	sadd.s32 @!p1 s16, s17;
	s17 =	sand.u32 @!p1 $0x380, s18  }
0x35: {  	s18 =	sxor.u32 @!p1 $0xFFFFFFFF, s13;
	s16 =	sand.u32 @!p1 $0x1FFFC00, s16;
	s17 =	sor.u32 @!p1 s17, s19  }
0x36: {  	s18 =	sshll.u32 @!p1 s18, $0xE;
	s16 =	sor.u32 @!p1 s16, s17;
	s17 =	sand.u32 @!p1 $0x7, s11  }
0x37: {  	s19 =	simm.s32 @!p1 $0x800;
	s16 =	sshrl.u32 @!p1 s16, $0x3;
	s17 =	sshll.u32 @!p1 s17, $0x12  }
0x38: {  	s18 =	sand.u32 @!p1 $0x4000, s18;
	s16 =	sadd.s32 @!p1 s5, s16;
	s17 =	sor.u32 @!p1 $0x400, s17  }
0x39: {  	[tilespmem:s18], [sflag:$0x1] =	stream.strided.gather @!p1 [hbm4b:s16+s17], $0x4000, s19, s17, $0x38;
	[tilespmem:$0x10100] =	vst v63  }
0x3a: {  	p1 =	sge.u32 s31, s6  }
.Ltmp2:
0x3b: {  	_ = 	snop;
	(pc) =	sbr.rel @p1 .LBB1_5-.Ltmp2, $1  }
0x3c: {  	_ =	sdelay $0x3  }
0x3d: {  	s16 =	simm.s32 $0x1  }
0x3e: {  	_ =	swait.ge [sflag:s4], $0x4000;
	s16 =	simm.s32 @!p0 $0x0  }
0x3f: {  	[sflag:s4] =	ssyncset.done $0x0;
	s17 =	sshll.u32 s16, $0xE  }
0x40: {  	[sflag:s4] =	ssyncadd.s32 $0xFFFFC000;
	s17 =	sor.u32 $0x40, s17  }
0x41: {  	s16 =	smul.u32 $0x10200, s16;
	v0 =	vld [tilespmem:s17+$0x30]  }
0x42: {  	v1 =	vld [tilespmem:s17+$0xFFFFFFD0]  }
0x43: {  	s16 =	sshrl.u32 s16, $0x2;
	v5 =	vld [tilespmem:s17+$0xFFFFFFE0]  }
0x44: {  	v6 =	vld [tilespmem:s17+$0xFFFFFFF0];
	s19 =	sor.u32 $0x8000, s16  }
0x45: {  	s31 =	sand.u32 $0x1, s13;
	v4 =	vld [tilespmem:s17+$0x0];
	s18 =	sadd.s32 $0x0, s19  }
0x46: {  	v3 =	vld [tilespmem:s17+$0x10];
	s16 =	smul.u32 $0x10200, s31;
	[tilespmem:s18+$0x3870 ss:$0x81] =	vst.msk $0xffff, v0  }
0x47: {  	v2 =	vld [tilespmem:s17+$0x20];
	[tilespmem:s18+$0x810 ss:$0x81] =	vst.msk $0xffff, v1  }
0x48: {  	s16 =	sshrl.u32 s16, $0x2;
	v1 =	vld [tilespmem:s17+$0xFFFFFFC0];
	[tilespmem:s18+$0x1020 ss:$0x81] =	vst.msk $0xffff, v5;
	s17 =	sadd.s32 $0x80, s17  }
0x49: {  	s20 =	simm.s32 $0x4;
	s21 =	simm.s32 $0x8;
	s16 =	sor.u32 $0x8000, s16;
	[tilespmem:s18+$0x1830 ss:$0x81] =	vst.msk $0xffff, v6;
	v0 =	vld [tilespmem:s17+$0x30]  }
.LBB1_3:
0x4a: {  	p1 =	sne.s32 s21, $0x1FC;
	v5 =	vld [tilespmem:s17+$0xFFFFFFD0];
	[tilespmem:s18+$0x2040 ss:$0x81] =	vst.msk $0xffff, v4  }
0x4b: {  	v6 =	vld [tilespmem:s17+$0xFFFFFFE0];
	[tilespmem:s18+$0x2850 ss:$0x81] =	vst.msk $0xffff, v3  }
0x4c: {  	s22 =	sshra.s32 s20, $0x2;
	s20 =	smov.u32 s21;
	v7 =	vld [tilespmem:s17+$0xFFFFFFF0];
	[tilespmem:s18+$0x3060 ss:$0x81] =	vst.msk $0xffff, v2  }
.Ltmp3:
0x4d: {  	v4 =	vld [tilespmem:s17+$0x0];
	[tilespmem:s18+$0x0 ss:$0x81] =	vst.msk $0xffff, v1;
	s18 =	sadd.s32 s22, s19;
	(pc) =	sbr.rel @p1 .LBB1_3-.Ltmp3, $4  }
0x4e: {  	v3 =	vld [tilespmem:s17+$0x10];
	[tilespmem:s18+$0x3870 ss:$0x81] =	vst.msk $0xffff, v0  }
0x4f: {  	[tilespmem:s18+$0x810 ss:$0x81] =	vst.msk $0xffff, v5;
	v2 =	vld [tilespmem:s17+$0x20]  }
0x50: {  	v1 =	vld [tilespmem:s17+$0xFFFFFFC0];
	[tilespmem:s18+$0x1020 ss:$0x81] =	vst.msk $0xffff, v6;
	s17 =	sadd.s32 $0x80, s17  }
0x51: {  	s21 =	sadd.s32 $0x4, s21;
	v0 =	vld [tilespmem:s17+$0x30];
	[tilespmem:s18+$0x1830 ss:$0x81] =	vst.msk $0xffff, v7  }
.Ltmp4:
0x52: {  	_ = 	snop;
	(pc) =	sbr.rel .LBB1_4-.Ltmp4, $1  }
0x53: {  	_ =	sdelay $0x3  }
.LBB1_6:
0x54: {  	_ =	sfence.sel $0x180000  }
0x55: {  	s2 =	simm.s32 $0x1;
	[bflag:$0x0] =	sbarrier.arrive $0xFFFF  }
0x56: {  	s31 =	simm.s32 $0x2;
	[sflag:s2] =	ssyncpa.u1 $0x1  }
0x57: {  	[sflag:s31] =	ssyncpa.u1 $0x1  }
0x58: {  	p0 =	sne.s32 s0, $0x0;
	_ =	strace $0x9000004A  }
0x59: {  	s0 =	sadd.s32 @!p0 $0x100000, s1;
	[bflag:$0x2] =	sbarrier.arrive $0xFFFF  }
0x5a: {  	[sflag:s0] =	ssyncadd.tile.s32 @!p0 $0x1;
	_ =	shalt  }
.Lfunc_end1:
_tile_overlayer_lowered:
.L_overlay_start_2:
0x5b: {  	(tag) =	ssettag $0x2  }
0x5c: {  	s0 =	rddreg [dreg:$0x0];
	s2 =	stileid.u32  }
0x5d: {  	s1 =	rddreg [dreg:$0x1];
	p0 =	sne.s32 s2, $0x0  }
0x5e: {  	s3 =	rddreg [dreg:$0x2];
	[bflag:$0x3] =	sbarrier.arrive $0xFFFF;
	s2 =	simm.s32 @!p0 $0x1C01  }
0x5f: {  	[timem:s3], [sflag:s2] =	dma.local @!p0 [hbm:s0], s1  }
0x60: {  	s0 =	simm.s32 @!p0 $0x1  }
0x61: {  	_ =	swait.ge @!p0 [sflag:s0], s1  }
0x62: {  	s1 =	ssub.s32 @!p0 $0x0, s1;
	[sflag:s0] =	ssyncset.done @!p0 $0x0  }
0x63: {  	[sflag:s0] =	ssyncadd.s32 @!p0 s1  }
0x64: {  	[bflag:$0x3] =	sbarrier.arrive $0xFFFF  }
0x65: {  	_ =	shalt  }

</sc_bundles>
